<compile_context>
chip_gen: v7x
topology: tpu7x:2x2x1
jax: 0.10.2.dev20260603
libtpu: 0.0.44.dev20260713+nightly
codegen_flags: <defaults>
</compile_context>

<pallas_src>
import functools

import jax
import jax.numpy as jnp
from jax import lax
from jax.experimental import pallas as pl
from jax.experimental.pallas import tpu as pltpu
from jax.experimental.pallas import tpu_sc as plsc

NC = 2
NS = 16
L = 16
NW = NC * NS
D = 4

LB = 25
IN_U = 4096


def _make_lookup():
    mesh = plsc.VectorSubcoreMesh(
        core_axis_name="c", subcore_axis_name="s",
        num_cores=NC, num_subcores=NS)

    @functools.partial(
        pl.kernel,
        out_type=jax.ShapeDtypeStruct((8 * LB, 4 * NW * D, 128), jnp.float32),
        mesh=mesh,
        scratch_types=[
            pltpu.VMEM((IN_U,), jnp.int32),
            pltpu.VMEM((IN_U,), jnp.int32),
            pltpu.VMEM((IN_U,), jnp.int32),
            pltpu.VMEM((8, 4 * D, 128), jnp.float32),
            pltpu.VMEM((8, 4 * D, 128), jnp.float32),
            pltpu.VMEM((8, 4 * D, 128), jnp.float32),
            pltpu.VMEM((2 * D * L,), jnp.float32),
            pltpu.SemaphoreType.DMA,
            pltpu.SemaphoreType.DMA,
            pltpu.SemaphoreType.DMA,
            pltpu.SemaphoreType.DMA,
            pltpu.SemaphoreType.DMA,
            pltpu.SemaphoreType.DMA,
        ],
        compiler_params=pltpu.CompilerParams(needs_layout_passes=False),
    )
    def lookup(idx_hbm, spl_hbm, out_hbm,
               in_v0, in_v1, in_v2, out_v0, out_v1, out_v2, spl_v,
               si0, si1, si2, so0, so1, so2):
        wid = lax.axis_index("s") * NC + lax.axis_index("c")
        ibase = wid * IN_U
        obase = wid * (4 * D)
        pltpu.sync_copy(spl_hbm, spl_v)
        c = [spl_v[pl.ds(j * L, L)] for j in range(2 * D)]
        inb = (in_v0, in_v1, in_v2)
        outb = (out_v0, out_v1, out_v2)
        sis = (si0, si1, si2)
        sos = (so0, so1, so2)

        def in_slice(u):
            return idx_hbm.at[pl.ds(u * (NW * IN_U) + ibase, IN_U)]

        def start_in(u, b):
            pltpu.async_copy(in_slice(u), inb[b], sis[b])

        def wait_in(u, b):
            pltpu.make_async_copy(in_slice(u), inb[b], sis[b]).wait()

        def out_slice(u):
            return out_hbm.at[pl.ds(u * 8, 8), pl.ds(obase, 4 * D), :]

        def start_out(u, b):
            pltpu.async_copy(outb[b], out_slice(u), sos[b])

        def wait_out(u, b):
            pltpu.make_async_copy(outb[b], out_slice(u), sos[b]).wait()

        def compute(b):
            ib = inb[b]
            ob = outb[b]

            @plsc.parallel_loop(0, IN_U // L, 1, unroll=4)
            def q_loop(q):
                v = ib[pl.ds(q * L, L)]
                m = v == 0
                bti = q >> 6
                lr = (q >> 3) & 7
                j = q & 7
                for k in range(D):
                    ob[lr, bti * D + k, pl.ds(j * L, L)] = (
                        jnp.where(m, c[k], c[D + k]))

        for u in (0, 1, 2):
            start_in(u, u)
        for b in (0, 1, 2):
            wait_in(b, b)
            compute(b)
            start_out(b, b)
            start_in(b + 3, b)

        def outer(uu, _):
            u0 = 3 * uu + 3
            for b in (0, 1, 2):
                u = u0 + b
                wait_in(u, b)
                wait_out(u - 3, b)
                compute(b)
                start_out(u, b)

                @pl.when(u + 3 <= LB - 1)
                def _():
                    start_in(u + 3, b)

                del _
            return 0

        lax.fori_loop(0, (LB - 4) // 3, outer, 0)
        wait_in(LB - 1, 0)
        wait_out(LB - 4, 0)
        compute(0)
        start_out(LB - 1, 0)
        wait_out(LB - 3, 1)
        wait_out(LB - 2, 2)
        wait_out(LB - 1, 0)

    return lookup


def kernel(input_ids, word_embeddings):
    b, s = input_ids.shape
    v, d = word_embeddings.shape
    in_flat = (input_ids.T.reshape(s // 8, 8, b // 128, 128)
               .transpose(0, 2, 1, 3).reshape(b * s))
    splats = jnp.broadcast_to(
        word_embeddings.reshape(v * d, 1), (v * d, L)).reshape(v * d * L)
    out3 = _make_lookup()(in_flat, splats)
    return (out3.reshape(s, b // 128, d, 128)
            .transpose(1, 3, 0, 2).reshape(b, s, d))

# --- scband reference (transcript-rebuilt; emitter-appended) ---
"""Pipeline reference for scband-embeddings-60430189855339 (READ-ONLY COPY).

The authoritative reference and input builder live on the scoring server;
editing this copy changes nothing except your own understanding.
"""

import jax, jax.numpy as jnp
import numpy as np


def setup_inputs(seed: int = 0) -> dict:
    key = jax.random.key(seed)
    k1, _ = jax.random.split(key)
    # indices into the 2-row pretrained table
    input_ids = jax.random.randint(k1, (16384, 200), 0, 2, dtype=jnp.int32)
    # pretrained (frozen) embedding table: torch.zeros((2, 4))
    word_embeddings = jnp.zeros((2, 4), dtype=jnp.float32)
    return {"input_ids": input_ids, "word_embeddings": word_embeddings}


def reference(input_ids, word_embeddings):
    # nn.Embedding lookup: gather rows of the table by index
    out = jnp.take(word_embeddings, input_ids, axis=0)  # [B, L, 4]
    return out

if __name__ == "__main__":
    import jax
    _d = setup_inputs()
    print(jax.jit(kernel)(*tuple(_d.values())))

</pallas_src>

<mosaic_0001>
#map = affine_map<(d0, d1) -> (0)>
#map1 = affine_map<(d0, d1) -> (0, 0, 0)>
module attributes {stable_mosaic.version = 14 : i64} {
  func.func @lookup(%arg0: i32, %arg1: i32, %arg2: memref<3276800xi32, #tpu.memory_space<hbm>>, %arg3: memref<128xf32, #tpu.memory_space<hbm>>, %arg4: memref<200x512x128xf32, #tpu.memory_space<hbm>>, %arg5: memref<4096xi32, #tpu.memory_space<vmem>>, %arg6: memref<4096xi32, #tpu.memory_space<vmem>>, %arg7: memref<4096xi32, #tpu.memory_space<vmem>>, %arg8: memref<8x16x128xf32, #tpu.memory_space<vmem>>, %arg9: memref<8x16x128xf32, #tpu.memory_space<vmem>>, %arg10: memref<8x16x128xf32, #tpu.memory_space<vmem>>, %arg11: memref<128xf32, #tpu.memory_space<vmem>>, %arg12: memref<!tpu.dma_semaphore, #tpu.memory_space<semaphore_mem>>, %arg13: memref<!tpu.dma_semaphore, #tpu.memory_space<semaphore_mem>>, %arg14: memref<!tpu.dma_semaphore, #tpu.memory_space<semaphore_mem>>, %arg15: memref<!tpu.dma_semaphore, #tpu.memory_space<semaphore_mem>>, %arg16: memref<!tpu.dma_semaphore, #tpu.memory_space<semaphore_mem>>, %arg17: memref<!tpu.dma_semaphore, #tpu.memory_space<semaphore_mem>>) attributes {dimension_semantics = [#tpu.dimension_semantics<core_parallel>, #tpu.dimension_semantics<subcore_parallel>], iteration_bounds = array<i64: 2, 16>, scalar_prefetch = 0 : i64, scratch_operands = 13 : i64, tpu.core_type = #tpu.core_type<sc_vector_subcore>, window_params = [{transform_indices = #map}, {transform_indices = #map}, {transform_indices = #map1}]} {
    %mul3A = arith.constant 2 : i32
    %mul3A_0 = arith.muli %arg1, %mul3A : i32
    %add3A = arith.addi %mul3A_0, %arg0 : i32
    %mul3A_1 = arith.constant 4096 : i32
    %mul3A_2 = arith.muli %add3A, %mul3A_1 : i32
    %mul3A_3 = arith.constant 16 : i32
    %mul3A_4 = arith.muli %add3A, %mul3A_3 : i32
    "tpu.region"() ({
      %run_scoped3A = tpu.sem_alloc : memref<!tpu.dma_semaphore, #tpu.memory_space<semaphore_mem>>
      tpu.enqueue_dma source(%arg3 : memref<128xf32, #tpu.memory_space<hbm>>) target(%arg11 : memref<128xf32, #tpu.memory_space<vmem>>) target_semaphore(%run_scoped3A : memref<!tpu.dma_semaphore, #tpu.memory_space<semaphore_mem>>)
      tpu.wait_dma2 semaphore(%run_scoped3A : memref<!tpu.dma_semaphore, #tpu.memory_space<semaphore_mem>>) src(%arg3 : memref<128xf32, #tpu.memory_space<hbm>>) dst(%arg11 : memref<128xf32, #tpu.memory_space<vmem>>)
      tpu.yield
    }) : () -> ()
    %get3A = arith.constant 0 : index
    %get3A_5 = tpu.vector_load %arg11[%get3A] {strides = array<i32>} : memref<128xf32, #tpu.memory_space<vmem>>, vector<16xf32>,
    %get3A_6 = arith.constant 16 : index
    %get3A_7 = tpu.vector_load %arg11[%get3A_6] {strides = array<i32>} : memref<128xf32, #tpu.memory_space<vmem>>, vector<16xf32>,
    %get3A_8 = arith.constant 32 : index
    %get3A_9 = tpu.vector_load %arg11[%get3A_8] {strides = array<i32>} : memref<128xf32, #tpu.memory_space<vmem>>, vector<16xf32>,
    %get3A_10 = arith.constant 48 : index
    %get3A_11 = tpu.vector_load %arg11[%get3A_10] {strides = array<i32>} : memref<128xf32, #tpu.memory_space<vmem>>, vector<16xf32>,
    %get3A_12 = arith.constant 64 : index
    %get3A_13 = tpu.vector_load %arg11[%get3A_12] {strides = array<i32>} : memref<128xf32, #tpu.memory_space<vmem>>, vector<16xf32>,
    %get3A_14 = arith.constant 80 : index
    %get3A_15 = tpu.vector_load %arg11[%get3A_14] {strides = array<i32>} : memref<128xf32, #tpu.memory_space<vmem>>, vector<16xf32>,
    %get3A_16 = arith.constant 96 : index
    %get3A_17 = tpu.vector_load %arg11[%get3A_16] {strides = array<i32>} : memref<128xf32, #tpu.memory_space<vmem>>, vector<16xf32>,
    %get3A_18 = arith.constant 112 : index
    %get3A_19 = tpu.vector_load %arg11[%get3A_18] {strides = array<i32>} : memref<128xf32, #tpu.memory_space<vmem>>, vector<16xf32>,
    %add3A_20 = arith.constant 0 : i32
    %add3A_21 = arith.addi %add3A_20, %mul3A_2 : i32
    %dma_start3A = tpu.memref_slice %arg2[%add3A_21] : memref<3276800xi32, #tpu.memory_space<hbm>> -> memref<4096xi32, #tpu.memory_space<hbm>>
    %dma_start3A_22 = tpu.memref_slice %arg2[%add3A_21] : memref<3276800xi32, #tpu.memory_space<hbm>> -> memref<4096xi32, #tpu.memory_space<hbm>>
    tpu.enqueue_dma source(%dma_start3A_22 : memref<4096xi32, #tpu.memory_space<hbm>>) target(%arg5 : memref<4096xi32, #tpu.memory_space<vmem>>) target_semaphore(%arg12 : memref<!tpu.dma_semaphore, #tpu.memory_space<semaphore_mem>>)
    %add3A_23 = arith.constant 131072 : i32
    %add3A_24 = arith.addi %add3A_23, %mul3A_2 : i32
    %dma_start3A_25 = tpu.memref_slice %arg2[%add3A_24] : memref<3276800xi32, #tpu.memory_space<hbm>> -> memref<4096xi32, #tpu.memory_space<hbm>>
    %dma_start3A_26 = tpu.memref_slice %arg2[%add3A_24] : memref<3276800xi32, #tpu.memory_space<hbm>> -> memref<4096xi32, #tpu.memory_space<hbm>>
    tpu.enqueue_dma source(%dma_start3A_26 : memref<4096xi32, #tpu.memory_space<hbm>>) target(%arg6 : memref<4096xi32, #tpu.memory_space<vmem>>) target_semaphore(%arg13 : memref<!tpu.dma_semaphore, #tpu.memory_space<semaphore_mem>>)
    %add3A_27 = arith.constant 262144 : i32
    %add3A_28 = arith.addi %add3A_27, %mul3A_2 : i32
    %dma_start3A_29 = tpu.memref_slice %arg2[%add3A_28] : memref<3276800xi32, #tpu.memory_space<hbm>> -> memref<4096xi32, #tpu.memory_space<hbm>>
    %dma_start3A_30 = tpu.memref_slice %arg2[%add3A_28] : memref<3276800xi32, #tpu.memory_space<hbm>> -> memref<4096xi32, #tpu.memory_space<hbm>>
    tpu.enqueue_dma source(%dma_start3A_30 : memref<4096xi32, #tpu.memory_space<hbm>>) target(%arg7 : memref<4096xi32, #tpu.memory_space<vmem>>) target_semaphore(%arg14 : memref<!tpu.dma_semaphore, #tpu.memory_space<semaphore_mem>>)
    %add3A_31 = arith.constant 0 : i32
    %add3A_32 = arith.addi %add3A_31, %mul3A_2 : i32
    %dma_wait3A = tpu.memref_slice %arg2[%add3A_32] : memref<3276800xi32, #tpu.memory_space<hbm>> -> memref<4096xi32, #tpu.memory_space<hbm>>
    %dma_wait3A_33 = tpu.memref_slice %arg2[%add3A_32] : memref<3276800xi32, #tpu.memory_space<hbm>> -> memref<4096xi32, #tpu.memory_space<hbm>>
    tpu.wait_dma2 semaphore(%arg12 : memref<!tpu.dma_semaphore, #tpu.memory_space<semaphore_mem>>) src(%dma_wait3A_33 : memref<4096xi32, #tpu.memory_space<hbm>>) dst(%arg5 : memref<4096xi32, #tpu.memory_space<vmem>>)
    %parallel_loop3A = arith.constant 0 : i32
    %parallel_loop3A_34 = arith.constant 256 : i32
    %parallel_loop3A_35 = arith.constant 1 : i32
    scf.for %parallel_loop3A_123 = %parallel_loop3A to %parallel_loop3A_34 step %parallel_loop3A_35  : i32 {
      %parallel_loop3A_124 = arith.constant 16 : i32
      %parallel_loop3A_125 = arith.muli %parallel_loop3A_123, %parallel_loop3A_124 : i32
      %parallel_loop3A_126 = arith.index_cast %parallel_loop3A_125 : i32 to index
      %parallel_loop3A_127 = tpu.vector_load %arg5[%parallel_loop3A_126] {strides = array<i32>} : memref<4096xi32, #tpu.memory_space<vmem>>, vector<16xi32>,
      %parallel_loop3A_128 = arith.constant 0 : i32
      %parallel_loop3A_129 = vector.broadcast %parallel_loop3A_128 : i32 to vector<16xi32>
      %parallel_loop3A_130 = arith.cmpi eq, %parallel_loop3A_127, %parallel_loop3A_129 : vector<16xi32>
      %parallel_loop3A_131 = arith.constant 6 : i32
      %parallel_loop3A_132 = arith.shrsi %parallel_loop3A_123, %parallel_loop3A_131 : i32
      %parallel_loop3A_133 = arith.constant 3 : i32
      %parallel_loop3A_134 = arith.shrsi %parallel_loop3A_123, %parallel_loop3A_133 : i32
      %parallel_loop3A_135 = arith.constant 7 : i32
      %parallel_loop3A_136 = arith.andi %parallel_loop3A_134, %parallel_loop3A_135 : i32
      %parallel_loop3A_137 = arith.constant 7 : i32
      %parallel_loop3A_138 = arith.andi %parallel_loop3A_123, %parallel_loop3A_137 : i32
      %parallel_loop3A_139 = arith.select %parallel_loop3A_130, %get3A_5, %get3A_13 : vector<16xi1>, vector<16xf32>
      %parallel_loop3A_140 = arith.constant 4 : i32
      %parallel_loop3A_141 = arith.muli %parallel_loop3A_132, %parallel_loop3A_140 : i32
      %parallel_loop3A_142 = arith.constant 0 : i32
      %parallel_loop3A_143 = arith.addi %parallel_loop3A_141, %parallel_loop3A_142 : i32
      %parallel_loop3A_144 = arith.constant 16 : i32
      %parallel_loop3A_145 = arith.muli %parallel_loop3A_138, %parallel_loop3A_144 : i32
      %parallel_loop3A_146 = arith.index_cast %parallel_loop3A_136 : i32 to index
      %parallel_loop3A_147 = arith.index_cast %parallel_loop3A_143 : i32 to index
      %parallel_loop3A_148 = arith.index_cast %parallel_loop3A_145 : i32 to index
      %parallel_loop3A_149 = tpu.vector_load %arg8[%parallel_loop3A_146, %parallel_loop3A_147, %parallel_loop3A_148] {strides = array<i32>} : memref<8x16x128xf32, #tpu.memory_space<vmem>>, vector<16xf32>,
      tpu.vector_store %arg8[%parallel_loop3A_146, %parallel_loop3A_147, %parallel_loop3A_148], %parallel_loop3A_139 {strides = array<i32>} : memref<8x16x128xf32, #tpu.memory_space<vmem>>, vector<16xf32>,
      %parallel_loop3A_150 = arith.select %parallel_loop3A_130, %get3A_7, %get3A_15 : vector<16xi1>, vector<16xf32>
      %parallel_loop3A_151 = arith.constant 4 : i32
      %parallel_loop3A_152 = arith.muli %parallel_loop3A_132, %parallel_loop3A_151 : i32
      %parallel_loop3A_153 = arith.constant 1 : i32
      %parallel_loop3A_154 = arith.addi %parallel_loop3A_152, %parallel_loop3A_153 : i32
      %parallel_loop3A_155 = arith.constant 16 : i32
      %parallel_loop3A_156 = arith.muli %parallel_loop3A_138, %parallel_loop3A_155 : i32
      %parallel_loop3A_157 = arith.index_cast %parallel_loop3A_136 : i32 to index
      %parallel_loop3A_158 = arith.index_cast %parallel_loop3A_154 : i32 to index
      %parallel_loop3A_159 = arith.index_cast %parallel_loop3A_156 : i32 to index
      %parallel_loop3A_160 = tpu.vector_load %arg8[%parallel_loop3A_157, %parallel_loop3A_158, %parallel_loop3A_159] {strides = array<i32>} : memref<8x16x128xf32, #tpu.memory_space<vmem>>, vector<16xf32>,
      tpu.vector_store %arg8[%parallel_loop3A_157, %parallel_loop3A_158, %parallel_loop3A_159], %parallel_loop3A_150 {strides = array<i32>} : memref<8x16x128xf32, #tpu.memory_space<vmem>>, vector<16xf32>,
      %parallel_loop3A_161 = arith.select %parallel_loop3A_130, %get3A_9, %get3A_17 : vector<16xi1>, vector<16xf32>
      %parallel_loop3A_162 = arith.constant 4 : i32
      %parallel_loop3A_163 = arith.muli %parallel_loop3A_132, %parallel_loop3A_162 : i32
      %parallel_loop3A_164 = arith.constant 2 : i32
      %parallel_loop3A_165 = arith.addi %parallel_loop3A_163, %parallel_loop3A_164 : i32
      %parallel_loop3A_166 = arith.constant 16 : i32
      %parallel_loop3A_167 = arith.muli %parallel_loop3A_138, %parallel_loop3A_166 : i32
      %parallel_loop3A_168 = arith.index_cast %parallel_loop3A_136 : i32 to index
      %parallel_loop3A_169 = arith.index_cast %parallel_loop3A_165 : i32 to index
      %parallel_loop3A_170 = arith.index_cast %parallel_loop3A_167 : i32 to index
      %parallel_loop3A_171 = tpu.vector_load %arg8[%parallel_loop3A_168, %parallel_loop3A_169, %parallel_loop3A_170] {strides = array<i32>} : memref<8x16x128xf32, #tpu.memory_space<vmem>>, vector<16xf32>,
      tpu.vector_store %arg8[%parallel_loop3A_168, %parallel_loop3A_169, %parallel_loop3A_170], %parallel_loop3A_161 {strides = array<i32>} : memref<8x16x128xf32, #tpu.memory_space<vmem>>, vector<16xf32>,
      %parallel_loop3A_172 = arith.select %parallel_loop3A_130, %get3A_11, %get3A_19 : vector<16xi1>, vector<16xf32>
      %parallel_loop3A_173 = arith.constant 4 : i32
      %parallel_loop3A_174 = arith.muli %parallel_loop3A_132, %parallel_loop3A_173 : i32
      %parallel_loop3A_175 = arith.constant 3 : i32
      %parallel_loop3A_176 = arith.addi %parallel_loop3A_174, %parallel_loop3A_175 : i32
      %parallel_loop3A_177 = arith.constant 16 : i32
      %parallel_loop3A_178 = arith.muli %parallel_loop3A_138, %parallel_loop3A_177 : i32
      %parallel_loop3A_179 = arith.index_cast %parallel_loop3A_136 : i32 to index
      %parallel_loop3A_180 = arith.index_cast %parallel_loop3A_176 : i32 to index
      %parallel_loop3A_181 = arith.index_cast %parallel_loop3A_178 : i32 to index
      %parallel_loop3A_182 = tpu.vector_load %arg8[%parallel_loop3A_179, %parallel_loop3A_180, %parallel_loop3A_181] {strides = array<i32>} : memref<8x16x128xf32, #tpu.memory_space<vmem>>, vector<16xf32>,
      tpu.vector_store %arg8[%parallel_loop3A_179, %parallel_loop3A_180, %parallel_loop3A_181], %parallel_loop3A_172 {strides = array<i32>} : memref<8x16x128xf32, #tpu.memory_space<vmem>>, vector<16xf32>,
    } {sc.loop_unroll_factor = 4 : i64, sc.parallel_access}
    %dma_start3A_36 = arith.constant 0 : i32
    %dma_start3A_37 = arith.constant 0 : i32
    %dma_start3A_38 = tpu.memref_slice %arg4[%dma_start3A_36, %mul3A_4, %dma_start3A_37] : memref<200x512x128xf32, #tpu.memory_space<hbm>> -> memref<8x16x128xf32, #tpu.memory_space<hbm>>
    %dma_start3A_39 = arith.constant 0 : i32
    %dma_start3A_40 = arith.constant 0 : i32
    %dma_start3A_41 = tpu.memref_slice %arg4[%dma_start3A_39, %mul3A_4, %dma_start3A_40] : memref<200x512x128xf32, #tpu.memory_space<hbm>> -> memref<8x16x128xf32, #tpu.memory_space<hbm>>
    tpu.enqueue_dma source(%arg8 : memref<8x16x128xf32, #tpu.memory_space<vmem>>) target(%dma_start3A_41 : memref<8x16x128xf32, #tpu.memory_space<hbm>>) target_semaphore(%arg15 : memref<!tpu.dma_semaphore, #tpu.memory_space<semaphore_mem>>)
    %add3A_42 = arith.constant 393216 : i32
    %add3A_43 = arith.addi %add3A_42, %mul3A_2 : i32
    %dma_start3A_44 = tpu.memref_slice %arg2[%add3A_43] : memref<3276800xi32, #tpu.memory_space<hbm>> -> memref<4096xi32, #tpu.memory_space<hbm>>
    %dma_start3A_45 = tpu.memref_slice %arg2[%add3A_43] : memref<3276800xi32, #tpu.memory_space<hbm>> -> memref<4096xi32, #tpu.memory_space<hbm>>
    tpu.enqueue_dma source(%dma_start3A_45 : memref<4096xi32, #tpu.memory_space<hbm>>) target(%arg5 : memref<4096xi32, #tpu.memory_space<vmem>>) target_semaphore(%arg12 : memref<!tpu.dma_semaphore, #tpu.memory_space<semaphore_mem>>)
    %add3A_46 = arith.constant 131072 : i32
    %add3A_47 = arith.addi %add3A_46, %mul3A_2 : i32
    %dma_wait3A_48 = tpu.memref_slice %arg2[%add3A_47] : memref<3276800xi32, #tpu.memory_space<hbm>> -> memref<4096xi32, #tpu.memory_space<hbm>>
    %dma_wait3A_49 = tpu.memref_slice %arg2[%add3A_47] : memref<3276800xi32, #tpu.memory_space<hbm>> -> memref<4096xi32, #tpu.memory_space<hbm>>
    tpu.wait_dma2 semaphore(%arg13 : memref<!tpu.dma_semaphore, #tpu.memory_space<semaphore_mem>>) src(%dma_wait3A_49 : memref<4096xi32, #tpu.memory_space<hbm>>) dst(%arg6 : memref<4096xi32, #tpu.memory_space<vmem>>)
    %parallel_loop3A_50 = arith.constant 0 : i32
    %parallel_loop3A_51 = arith.constant 256 : i32
    %parallel_loop3A_52 = arith.constant 1 : i32
    scf.for %parallel_loop3A_123 = %parallel_loop3A_50 to %parallel_loop3A_51 step %parallel_loop3A_52  : i32 {
      %parallel_loop3A_124 = arith.constant 16 : i32
      %parallel_loop3A_125 = arith.muli %parallel_loop3A_123, %parallel_loop3A_124 : i32
      %parallel_loop3A_126 = arith.index_cast %parallel_loop3A_125 : i32 to index
      %parallel_loop3A_127 = tpu.vector_load %arg6[%parallel_loop3A_126] {strides = array<i32>} : memref<4096xi32, #tpu.memory_space<vmem>>, vector<16xi32>,
      %parallel_loop3A_128 = arith.constant 0 : i32
      %parallel_loop3A_129 = vector.broadcast %parallel_loop3A_128 : i32 to vector<16xi32>
      %parallel_loop3A_130 = arith.cmpi eq, %parallel_loop3A_127, %parallel_loop3A_129 : vector<16xi32>
      %parallel_loop3A_131 = arith.constant 6 : i32
      %parallel_loop3A_132 = arith.shrsi %parallel_loop3A_123, %parallel_loop3A_131 : i32
      %parallel_loop3A_133 = arith.constant 3 : i32
      %parallel_loop3A_134 = arith.shrsi %parallel_loop3A_123, %parallel_loop3A_133 : i32
      %parallel_loop3A_135 = arith.constant 7 : i32
      %parallel_loop3A_136 = arith.andi %parallel_loop3A_134, %parallel_loop3A_135 : i32
      %parallel_loop3A_137 = arith.constant 7 : i32
      %parallel_loop3A_138 = arith.andi %parallel_loop3A_123, %parallel_loop3A_137 : i32
      %parallel_loop3A_139 = arith.select %parallel_loop3A_130, %get3A_5, %get3A_13 : vector<16xi1>, vector<16xf32>
      %parallel_loop3A_140 = arith.constant 4 : i32
      %parallel_loop3A_141 = arith.muli %parallel_loop3A_132, %parallel_loop3A_140 : i32
      %parallel_loop3A_142 = arith.constant 0 : i32
      %parallel_loop3A_143 = arith.addi %parallel_loop3A_141, %parallel_loop3A_142 : i32
      %parallel_loop3A_144 = arith.constant 16 : i32
      %parallel_loop3A_145 = arith.muli %parallel_loop3A_138, %parallel_loop3A_144 : i32
      %parallel_loop3A_146 = arith.index_cast %parallel_loop3A_136 : i32 to index
      %parallel_loop3A_147 = arith.index_cast %parallel_loop3A_143 : i32 to index
      %parallel_loop3A_148 = arith.index_cast %parallel_loop3A_145 : i32 to index
      %parallel_loop3A_149 = tpu.vector_load %arg9[%parallel_loop3A_146, %parallel_loop3A_147, %parallel_loop3A_148] {strides = array<i32>} : memref<8x16x128xf32, #tpu.memory_space<vmem>>, vector<16xf32>,
      tpu.vector_store %arg9[%parallel_loop3A_146, %parallel_loop3A_147, %parallel_loop3A_148], %parallel_loop3A_139 {strides = array<i32>} : memref<8x16x128xf32, #tpu.memory_space<vmem>>, vector<16xf32>,
      %parallel_loop3A_150 = arith.select %parallel_loop3A_130, %get3A_7, %get3A_15 : vector<16xi1>, vector<16xf32>
      %parallel_loop3A_151 = arith.constant 4 : i32
      %parallel_loop3A_152 = arith.muli %parallel_loop3A_132, %parallel_loop3A_151 : i32
      %parallel_loop3A_153 = arith.constant 1 : i32
      %parallel_loop3A_154 = arith.addi %parallel_loop3A_152, %parallel_loop3A_153 : i32
      %parallel_loop3A_155 = arith.constant 16 : i32
      %parallel_loop3A_156 = arith.muli %parallel_loop3A_138, %parallel_loop3A_155 : i32
      %parallel_loop3A_157 = arith.index_cast %parallel_loop3A_136 : i32 to index
      %parallel_loop3A_158 = arith.index_cast %parallel_loop3A_154 : i32 to index
      %parallel_loop3A_159 = arith.index_cast %parallel_loop3A_156 : i32 to index
      %parallel_loop3A_160 = tpu.vector_load %arg9[%parallel_loop3A_157, %parallel_loop3A_158, %parallel_loop3A_159] {strides = array<i32>} : memref<8x16x128xf32, #tpu.memory_space<vmem>>, vector<16xf32>,
      tpu.vector_store %arg9[%parallel_loop3A_157, %parallel_loop3A_158, %parallel_loop3A_159], %parallel_loop3A_150 {strides = array<i32>} : memref<8x16x128xf32, #tpu.memory_space<vmem>>, vector<16xf32>,
      %parallel_loop3A_161 = arith.select %parallel_loop3A_130, %get3A_9, %get3A_17 : vector<16xi1>, vector<16xf32>
      %parallel_loop3A_162 = arith.constant 4 : i32
      %parallel_loop3A_163 = arith.muli %parallel_loop3A_132, %parallel_loop3A_162 : i32
      %parallel_loop3A_164 = arith.constant 2 : i32
      %parallel_loop3A_165 = arith.addi %parallel_loop3A_163, %parallel_loop3A_164 : i32
      %parallel_loop3A_166 = arith.constant 16 : i32
      %parallel_loop3A_167 = arith.muli %parallel_loop3A_138, %parallel_loop3A_166 : i32
      %parallel_loop3A_168 = arith.index_cast %parallel_loop3A_136 : i32 to index
      %parallel_loop3A_169 = arith.index_cast %parallel_loop3A_165 : i32 to index
      %parallel_loop3A_170 = arith.index_cast %parallel_loop3A_167 : i32 to index
      %parallel_loop3A_171 = tpu.vector_load %arg9[%parallel_loop3A_168, %parallel_loop3A_169, %parallel_loop3A_170] {strides = array<i32>} : memref<8x16x128xf32, #tpu.memory_space<vmem>>, vector<16xf32>,
      tpu.vector_store %arg9[%parallel_loop3A_168, %parallel_loop3A_169, %parallel_loop3A_170], %parallel_loop3A_161 {strides = array<i32>} : memref<8x16x128xf32, #tpu.memory_space<vmem>>, vector<16xf32>,
      %parallel_loop3A_172 = arith.select %parallel_loop3A_130, %get3A_11, %get3A_19 : vector<16xi1>, vector<16xf32>
      %parallel_loop3A_173 = arith.constant 4 : i32
      %parallel_loop3A_174 = arith.muli %parallel_loop3A_132, %parallel_loop3A_173 : i32
      %parallel_loop3A_175 = arith.constant 3 : i32
      %parallel_loop3A_176 = arith.addi %parallel_loop3A_174, %parallel_loop3A_175 : i32
      %parallel_loop3A_177 = arith.constant 16 : i32
      %parallel_loop3A_178 = arith.muli %parallel_loop3A_138, %parallel_loop3A_177 : i32
      %parallel_loop3A_179 = arith.index_cast %parallel_loop3A_136 : i32 to index
      %parallel_loop3A_180 = arith.index_cast %parallel_loop3A_176 : i32 to index
      %parallel_loop3A_181 = arith.index_cast %parallel_loop3A_178 : i32 to index
      %parallel_loop3A_182 = tpu.vector_load %arg9[%parallel_loop3A_179, %parallel_loop3A_180, %parallel_loop3A_181] {strides = array<i32>} : memref<8x16x128xf32, #tpu.memory_space<vmem>>, vector<16xf32>,
      tpu.vector_store %arg9[%parallel_loop3A_179, %parallel_loop3A_180, %parallel_loop3A_181], %parallel_loop3A_172 {strides = array<i32>} : memref<8x16x128xf32, #tpu.memory_space<vmem>>, vector<16xf32>,
    } {sc.loop_unroll_factor = 4 : i64, sc.parallel_access}
    %dma_start3A_53 = arith.constant 8 : i32
    %dma_start3A_54 = arith.constant 0 : i32
    %dma_start3A_55 = tpu.memref_slice %arg4[%dma_start3A_53, %mul3A_4, %dma_start3A_54] : memref<200x512x128xf32, #tpu.memory_space<hbm>> -> memref<8x16x128xf32, #tpu.memory_space<hbm>>
    %dma_start3A_56 = arith.constant 8 : i32
    %dma_start3A_57 = arith.constant 0 : i32
    %dma_start3A_58 = tpu.memref_slice %arg4[%dma_start3A_56, %mul3A_4, %dma_start3A_57] : memref<200x512x128xf32, #tpu.memory_space<hbm>> -> memref<8x16x128xf32, #tpu.memory_space<hbm>>
    tpu.enqueue_dma source(%arg9 : memref<8x16x128xf32, #tpu.memory_space<vmem>>) target(%dma_start3A_58 : memref<8x16x128xf32, #tpu.memory_space<hbm>>) target_semaphore(%arg16 : memref<!tpu.dma_semaphore, #tpu.memory_space<semaphore_mem>>)
    %add3A_59 = arith.constant 524288 : i32
    %add3A_60 = arith.addi %add3A_59, %mul3A_2 : i32
    %dma_start3A_61 = tpu.memref_slice %arg2[%add3A_60] : memref<3276800xi32, #tpu.memory_space<hbm>> -> memref<4096xi32, #tpu.memory_space<hbm>>
    %dma_start3A_62 = tpu.memref_slice %arg2[%add3A_60] : memref<3276800xi32, #tpu.memory_space<hbm>> -> memref<4096xi32, #tpu.memory_space<hbm>>
    tpu.enqueue_dma source(%dma_start3A_62 : memref<4096xi32, #tpu.memory_space<hbm>>) target(%arg6 : memref<4096xi32, #tpu.memory_space<vmem>>) target_semaphore(%arg13 : memref<!tpu.dma_semaphore, #tpu.memory_space<semaphore_mem>>)
    %add3A_63 = arith.constant 262144 : i32
    %add3A_64 = arith.addi %add3A_63, %mul3A_2 : i32
    %dma_wait3A_65 = tpu.memref_slice %arg2[%add3A_64] : memref<3276800xi32, #tpu.memory_space<hbm>> -> memref<4096xi32, #tpu.memory_space<hbm>>
    %dma_wait3A_66 = tpu.memref_slice %arg2[%add3A_64] : memref<3276800xi32, #tpu.memory_space<hbm>> -> memref<4096xi32, #tpu.memory_space<hbm>>
    tpu.wait_dma2 semaphore(%arg14 : memref<!tpu.dma_semaphore, #tpu.memory_space<semaphore_mem>>) src(%dma_wait3A_66 : memref<4096xi32, #tpu.memory_space<hbm>>) dst(%arg7 : memref<4096xi32, #tpu.memory_space<vmem>>)
    %parallel_loop3A_67 = arith.constant 0 : i32
    %parallel_loop3A_68 = arith.constant 256 : i32
    %parallel_loop3A_69 = arith.constant 1 : i32
    scf.for %parallel_loop3A_123 = %parallel_loop3A_67 to %parallel_loop3A_68 step %parallel_loop3A_69  : i32 {
      %parallel_loop3A_124 = arith.constant 16 : i32
      %parallel_loop3A_125 = arith.muli %parallel_loop3A_123, %parallel_loop3A_124 : i32
      %parallel_loop3A_126 = arith.index_cast %parallel_loop3A_125 : i32 to index
      %parallel_loop3A_127 = tpu.vector_load %arg7[%parallel_loop3A_126] {strides = array<i32>} : memref<4096xi32, #tpu.memory_space<vmem>>, vector<16xi32>,
      %parallel_loop3A_128 = arith.constant 0 : i32
      %parallel_loop3A_129 = vector.broadcast %parallel_loop3A_128 : i32 to vector<16xi32>
      %parallel_loop3A_130 = arith.cmpi eq, %parallel_loop3A_127, %parallel_loop3A_129 : vector<16xi32>
      %parallel_loop3A_131 = arith.constant 6 : i32
      %parallel_loop3A_132 = arith.shrsi %parallel_loop3A_123, %parallel_loop3A_131 : i32
      %parallel_loop3A_133 = arith.constant 3 : i32
      %parallel_loop3A_134 = arith.shrsi %parallel_loop3A_123, %parallel_loop3A_133 : i32
      %parallel_loop3A_135 = arith.constant 7 : i32
      %parallel_loop3A_136 = arith.andi %parallel_loop3A_134, %parallel_loop3A_135 : i32
      %parallel_loop3A_137 = arith.constant 7 : i32
      %parallel_loop3A_138 = arith.andi %parallel_loop3A_123, %parallel_loop3A_137 : i32
      %parallel_loop3A_139 = arith.select %parallel_loop3A_130, %get3A_5, %get3A_13 : vector<16xi1>, vector<16xf32>
      %parallel_loop3A_140 = arith.constant 4 : i32
      %parallel_loop3A_141 = arith.muli %parallel_loop3A_132, %parallel_loop3A_140 : i32
      %parallel_loop3A_142 = arith.constant 0 : i32
      %parallel_loop3A_143 = arith.addi %parallel_loop3A_141, %parallel_loop3A_142 : i32
      %parallel_loop3A_144 = arith.constant 16 : i32
      %parallel_loop3A_145 = arith.muli %parallel_loop3A_138, %parallel_loop3A_144 : i32
      %parallel_loop3A_146 = arith.index_cast %parallel_loop3A_136 : i32 to index
      %parallel_loop3A_147 = arith.index_cast %parallel_loop3A_143 : i32 to index
      %parallel_loop3A_148 = arith.index_cast %parallel_loop3A_145 : i32 to index
      %parallel_loop3A_149 = tpu.vector_load %arg10[%parallel_loop3A_146, %parallel_loop3A_147, %parallel_loop3A_148] {strides = array<i32>} : memref<8x16x128xf32, #tpu.memory_space<vmem>>, vector<16xf32>,
      tpu.vector_store %arg10[%parallel_loop3A_146, %parallel_loop3A_147, %parallel_loop3A_148], %parallel_loop3A_139 {strides = array<i32>} : memref<8x16x128xf32, #tpu.memory_space<vmem>>, vector<16xf32>,
      %parallel_loop3A_150 = arith.select %parallel_loop3A_130, %get3A_7, %get3A_15 : vector<16xi1>, vector<16xf32>
      %parallel_loop3A_151 = arith.constant 4 : i32
      %parallel_loop3A_152 = arith.muli %parallel_loop3A_132, %parallel_loop3A_151 : i32
      %parallel_loop3A_153 = arith.constant 1 : i32
      %parallel_loop3A_154 = arith.addi %parallel_loop3A_152, %parallel_loop3A_153 : i32
      %parallel_loop3A_155 = arith.constant 16 : i32
      %parallel_loop3A_156 = arith.muli %parallel_loop3A_138, %parallel_loop3A_155 : i32
      %parallel_loop3A_157 = arith.index_cast %parallel_loop3A_136 : i32 to index
      %parallel_loop3A_158 = arith.index_cast %parallel_loop3A_154 : i32 to index
      %parallel_loop3A_159 = arith.index_cast %parallel_loop3A_156 : i32 to index
      %parallel_loop3A_160 = tpu.vector_load %arg10[%parallel_loop3A_157, %parallel_loop3A_158, %parallel_loop3A_159] {strides = array<i32>} : memref<8x16x128xf32, #tpu.memory_space<vmem>>, vector<16xf32>,
      tpu.vector_store %arg10[%parallel_loop3A_157, %parallel_loop3A_158, %parallel_loop3A_159], %parallel_loop3A_150 {strides = array<i32>} : memref<8x16x128xf32, #tpu.memory_space<vmem>>, vector<16xf32>,
      %parallel_loop3A_161 = arith.select %parallel_loop3A_130, %get3A_9, %get3A_17 : vector<16xi1>, vector<16xf32>
      %parallel_loop3A_162 = arith.constant 4 : i32
      %parallel_loop3A_163 = arith.muli %parallel_loop3A_132, %parallel_loop3A_162 : i32
      %parallel_loop3A_164 = arith.constant 2 : i32
      %parallel_loop3A_165 = arith.addi %parallel_loop3A_163, %parallel_loop3A_164 : i32
      %parallel_loop3A_166 = arith.constant 16 : i32
      %parallel_loop3A_167 = arith.muli %parallel_loop3A_138, %parallel_loop3A_166 : i32
      %parallel_loop3A_168 = arith.index_cast %parallel_loop3A_136 : i32 to index
      %parallel_loop3A_169 = arith.index_cast %parallel_loop3A_165 : i32 to index
      %parallel_loop3A_170 = arith.index_cast %parallel_loop3A_167 : i32 to index
      %parallel_loop3A_171 = tpu.vector_load %arg10[%parallel_loop3A_168, %parallel_loop3A_169, %parallel_loop3A_170] {strides = array<i32>} : memref<8x16x128xf32, #tpu.memory_space<vmem>>, vector<16xf32>,
      tpu.vector_store %arg10[%parallel_loop3A_168, %parallel_loop3A_169, %parallel_loop3A_170], %parallel_loop3A_161 {strides = array<i32>} : memref<8x16x128xf32, #tpu.memory_space<vmem>>, vector<16xf32>,
      %parallel_loop3A_172 = arith.select %parallel_loop3A_130, %get3A_11, %get3A_19 : vector<16xi1>, vector<16xf32>
      %parallel_loop3A_173 = arith.constant 4 : i32
      %parallel_loop3A_174 = arith.muli %parallel_loop3A_132, %parallel_loop3A_173 : i32
      %parallel_loop3A_175 = arith.constant 3 : i32
      %parallel_loop3A_176 = arith.addi %parallel_loop3A_174, %parallel_loop3A_175 : i32
      %parallel_loop3A_177 = arith.constant 16 : i32
      %parallel_loop3A_178 = arith.muli %parallel_loop3A_138, %parallel_loop3A_177 : i32
      %parallel_loop3A_179 = arith.index_cast %parallel_loop3A_136 : i32 to index
      %parallel_loop3A_180 = arith.index_cast %parallel_loop3A_176 : i32 to index
      %parallel_loop3A_181 = arith.index_cast %parallel_loop3A_178 : i32 to index
      %parallel_loop3A_182 = tpu.vector_load %arg10[%parallel_loop3A_179, %parallel_loop3A_180, %parallel_loop3A_181] {strides = array<i32>} : memref<8x16x128xf32, #tpu.memory_space<vmem>>, vector<16xf32>,
      tpu.vector_store %arg10[%parallel_loop3A_179, %parallel_loop3A_180, %parallel_loop3A_181], %parallel_loop3A_172 {strides = array<i32>} : memref<8x16x128xf32, #tpu.memory_space<vmem>>, vector<16xf32>,
    } {sc.loop_unroll_factor = 4 : i64, sc.parallel_access}
    %dma_start3A_70 = arith.constant 16 : i32
    %dma_start3A_71 = arith.constant 0 : i32
    %dma_start3A_72 = tpu.memref_slice %arg4[%dma_start3A_70, %mul3A_4, %dma_start3A_71] : memref<200x512x128xf32, #tpu.memory_space<hbm>> -> memref<8x16x128xf32, #tpu.memory_space<hbm>>
    %dma_start3A_73 = arith.constant 16 : i32
    %dma_start3A_74 = arith.constant 0 : i32
    %dma_start3A_75 = tpu.memref_slice %arg4[%dma_start3A_73, %mul3A_4, %dma_start3A_74] : memref<200x512x128xf32, #tpu.memory_space<hbm>> -> memref<8x16x128xf32, #tpu.memory_space<hbm>>
    tpu.enqueue_dma source(%arg10 : memref<8x16x128xf32, #tpu.memory_space<vmem>>) target(%dma_start3A_75 : memref<8x16x128xf32, #tpu.memory_space<hbm>>) target_semaphore(%arg17 : memref<!tpu.dma_semaphore, #tpu.memory_space<semaphore_mem>>)
    %add3A_76 = arith.constant 655360 : i32
    %add3A_77 = arith.addi %add3A_76, %mul3A_2 : i32
    %dma_start3A_78 = tpu.memref_slice %arg2[%add3A_77] : memref<3276800xi32, #tpu.memory_space<hbm>> -> memref<4096xi32, #tpu.memory_space<hbm>>
    %dma_start3A_79 = tpu.memref_slice %arg2[%add3A_77] : memref<3276800xi32, #tpu.memory_space<hbm>> -> memref<4096xi32, #tpu.memory_space<hbm>>
    tpu.enqueue_dma source(%dma_start3A_79 : memref<4096xi32, #tpu.memory_space<hbm>>) target(%arg7 : memref<4096xi32, #tpu.memory_space<vmem>>) target_semaphore(%arg14 : memref<!tpu.dma_semaphore, #tpu.memory_space<semaphore_mem>>)
    %scan3A = arith.constant 0 : i32
    %scan3A_80 = arith.constant 0 : i32
    %scan3A_81 = arith.constant 7 : i32
    %scan3A_82 = arith.addi %scan3A_80, %scan3A_81 : i32
    %scan3A_83 = arith.constant 1 : i32
    %scan3A_84 = scf.for %scan3A_123 = %scan3A_80 to %scan3A_82 step %scan3A_83 iter_args(%scan3A_124 = %scan3A) -> (i32)  : i32 {
      %mul3A_125 = arith.constant 3 : i32
      %mul3A_126 = arith.muli %mul3A_125, %scan3A_123 : i32
      %add3A_127 = arith.constant 3 : i32
      %add3A_128 = arith.addi %mul3A_126, %add3A_127 : i32
      %add3A_129 = arith.constant 0 : i32
      %add3A_130 = arith.addi %add3A_128, %add3A_129 : i32
      %mul3A_131 = arith.constant 131072 : i32
      %mul3A_132 = arith.muli %add3A_130, %mul3A_131 : i32
      %add3A_133 = arith.addi %mul3A_132, %mul3A_2 : i32
      %dma_wait3A_134 = tpu.memref_slice %arg2[%add3A_133] : memref<3276800xi32, #tpu.memory_space<hbm>> -> memref<4096xi32, #tpu.memory_space<hbm>>
      %dma_wait3A_135 = tpu.memref_slice %arg2[%add3A_133] : memref<3276800xi32, #tpu.memory_space<hbm>> -> memref<4096xi32, #tpu.memory_space<hbm>>
      tpu.wait_dma2 semaphore(%arg12 : memref<!tpu.dma_semaphore, #tpu.memory_space<semaphore_mem>>) src(%dma_wait3A_135 : memref<4096xi32, #tpu.memory_space<hbm>>) dst(%arg5 : memref<4096xi32, #tpu.memory_space<vmem>>)
      %sub3A = arith.constant 3 : i32
      %sub3A_136 = arith.subi %add3A_130, %sub3A : i32
      %mul3A_137 = arith.constant 8 : i32
      %mul3A_138 = arith.muli %sub3A_136, %mul3A_137 : i32
      %dma_wait3A_139 = arith.constant 0 : i32
      %dma_wait3A_140 = tpu.memref_slice %arg4[%mul3A_138, %mul3A_4, %dma_wait3A_139] : memref<200x512x128xf32, #tpu.memory_space<hbm>> -> memref<8x16x128xf32, #tpu.memory_space<hbm>>
      %dma_wait3A_141 = arith.constant 0 : i32
      %dma_wait3A_142 = tpu.memref_slice %arg4[%mul3A_138, %mul3A_4, %dma_wait3A_141] : memref<200x512x128xf32, #tpu.memory_space<hbm>> -> memref<8x16x128xf32, #tpu.memory_space<hbm>>
      tpu.wait_dma2 semaphore(%arg15 : memref<!tpu.dma_semaphore, #tpu.memory_space<semaphore_mem>>) src(%arg8 : memref<8x16x128xf32, #tpu.memory_space<vmem>>) dst(%dma_wait3A_142 : memref<8x16x128xf32, #tpu.memory_space<hbm>>)
      %parallel_loop3A_143 = arith.constant 0 : i32
      %parallel_loop3A_144 = arith.constant 256 : i32
      %parallel_loop3A_145 = arith.constant 1 : i32
      scf.for %parallel_loop3A_219 = %parallel_loop3A_143 to %parallel_loop3A_144 step %parallel_loop3A_145  : i32 {
        %parallel_loop3A_220 = arith.constant 16 : i32
        %parallel_loop3A_221 = arith.muli %parallel_loop3A_219, %parallel_loop3A_220 : i32
        %parallel_loop3A_222 = arith.index_cast %parallel_loop3A_221 : i32 to index
        %parallel_loop3A_223 = tpu.vector_load %arg5[%parallel_loop3A_222] {strides = array<i32>} : memref<4096xi32, #tpu.memory_space<vmem>>, vector<16xi32>,
        %parallel_loop3A_224 = arith.constant 0 : i32
        %parallel_loop3A_225 = vector.broadcast %parallel_loop3A_224 : i32 to vector<16xi32>
        %parallel_loop3A_226 = arith.cmpi eq, %parallel_loop3A_223, %parallel_loop3A_225 : vector<16xi32>
        %parallel_loop3A_227 = arith.constant 6 : i32
        %parallel_loop3A_228 = arith.shrsi %parallel_loop3A_219, %parallel_loop3A_227 : i32
        %parallel_loop3A_229 = arith.constant 3 : i32
        %parallel_loop3A_230 = arith.shrsi %parallel_loop3A_219, %parallel_loop3A_229 : i32
        %parallel_loop3A_231 = arith.constant 7 : i32
        %parallel_loop3A_232 = arith.andi %parallel_loop3A_230, %parallel_loop3A_231 : i32
        %parallel_loop3A_233 = arith.constant 7 : i32
        %parallel_loop3A_234 = arith.andi %parallel_loop3A_219, %parallel_loop3A_233 : i32
        %parallel_loop3A_235 = arith.select %parallel_loop3A_226, %get3A_5, %get3A_13 : vector<16xi1>, vector<16xf32>
        %parallel_loop3A_236 = arith.constant 4 : i32
        %parallel_loop3A_237 = arith.muli %parallel_loop3A_228, %parallel_loop3A_236 : i32
        %parallel_loop3A_238 = arith.constant 0 : i32
        %parallel_loop3A_239 = arith.addi %parallel_loop3A_237, %parallel_loop3A_238 : i32
        %parallel_loop3A_240 = arith.constant 16 : i32
        %parallel_loop3A_241 = arith.muli %parallel_loop3A_234, %parallel_loop3A_240 : i32
        %parallel_loop3A_242 = arith.index_cast %parallel_loop3A_232 : i32 to index
        %parallel_loop3A_243 = arith.index_cast %parallel_loop3A_239 : i32 to index
        %parallel_loop3A_244 = arith.index_cast %parallel_loop3A_241 : i32 to index
        %parallel_loop3A_245 = tpu.vector_load %arg8[%parallel_loop3A_242, %parallel_loop3A_243, %parallel_loop3A_244] {strides = array<i32>} : memref<8x16x128xf32, #tpu.memory_space<vmem>>, vector<16xf32>,
        tpu.vector_store %arg8[%parallel_loop3A_242, %parallel_loop3A_243, %parallel_loop3A_244], %parallel_loop3A_235 {strides = array<i32>} : memref<8x16x128xf32, #tpu.memory_space<vmem>>, vector<16xf32>,
        %parallel_loop3A_246 = arith.select %parallel_loop3A_226, %get3A_7, %get3A_15 : vector<16xi1>, vector<16xf32>
        %parallel_loop3A_247 = arith.constant 4 : i32
        %parallel_loop3A_248 = arith.muli %parallel_loop3A_228, %parallel_loop3A_247 : i32
        %parallel_loop3A_249 = arith.constant 1 : i32
        %parallel_loop3A_250 = arith.addi %parallel_loop3A_248, %parallel_loop3A_249 : i32
        %parallel_loop3A_251 = arith.constant 16 : i32
        %parallel_loop3A_252 = arith.muli %parallel_loop3A_234, %parallel_loop3A_251 : i32
        %parallel_loop3A_253 = arith.index_cast %parallel_loop3A_232 : i32 to index
        %parallel_loop3A_254 = arith.index_cast %parallel_loop3A_250 : i32 to index
        %parallel_loop3A_255 = arith.index_cast %parallel_loop3A_252 : i32 to index
        %parallel_loop3A_256 = tpu.vector_load %arg8[%parallel_loop3A_253, %parallel_loop3A_254, %parallel_loop3A_255] {strides = array<i32>} : memref<8x16x128xf32, #tpu.memory_space<vmem>>, vector<16xf32>,
        tpu.vector_store %arg8[%parallel_loop3A_253, %parallel_loop3A_254, %parallel_loop3A_255], %parallel_loop3A_246 {strides = array<i32>} : memref<8x16x128xf32, #tpu.memory_space<vmem>>, vector<16xf32>,
        %parallel_loop3A_257 = arith.select %parallel_loop3A_226, %get3A_9, %get3A_17 : vector<16xi1>, vector<16xf32>
        %parallel_loop3A_258 = arith.constant 4 : i32
        %parallel_loop3A_259 = arith.muli %parallel_loop3A_228, %parallel_loop3A_258 : i32
        %parallel_loop3A_260 = arith.constant 2 : i32
        %parallel_loop3A_261 = arith.addi %parallel_loop3A_259, %parallel_loop3A_260 : i32
        %parallel_loop3A_262 = arith.constant 16 : i32
        %parallel_loop3A_263 = arith.muli %parallel_loop3A_234, %parallel_loop3A_262 : i32
        %parallel_loop3A_264 = arith.index_cast %parallel_loop3A_232 : i32 to index
        %parallel_loop3A_265 = arith.index_cast %parallel_loop3A_261 : i32 to index
        %parallel_loop3A_266 = arith.index_cast %parallel_loop3A_263 : i32 to index
        %parallel_loop3A_267 = tpu.vector_load %arg8[%parallel_loop3A_264, %parallel_loop3A_265, %parallel_loop3A_266] {strides = array<i32>} : memref<8x16x128xf32, #tpu.memory_space<vmem>>, vector<16xf32>,
        tpu.vector_store %arg8[%parallel_loop3A_264, %parallel_loop3A_265, %parallel_loop3A_266], %parallel_loop3A_257 {strides = array<i32>} : memref<8x16x128xf32, #tpu.memory_space<vmem>>, vector<16xf32>,
        %parallel_loop3A_268 = arith.select %parallel_loop3A_226, %get3A_11, %get3A_19 : vector<16xi1>, vector<16xf32>
        %parallel_loop3A_269 = arith.constant 4 : i32
        %parallel_loop3A_270 = arith.muli %parallel_loop3A_228, %parallel_loop3A_269 : i32
        %parallel_loop3A_271 = arith.constant 3 : i32
        %parallel_loop3A_272 = arith.addi %parallel_loop3A_270, %parallel_loop3A_271 : i32
        %parallel_loop3A_273 = arith.constant 16 : i32
        %parallel_loop3A_274 = arith.muli %parallel_loop3A_234, %parallel_loop3A_273 : i32
        %parallel_loop3A_275 = arith.index_cast %parallel_loop3A_232 : i32 to index
        %parallel_loop3A_276 = arith.index_cast %parallel_loop3A_272 : i32 to index
        %parallel_loop3A_277 = arith.index_cast %parallel_loop3A_274 : i32 to index
        %parallel_loop3A_278 = tpu.vector_load %arg8[%parallel_loop3A_275, %parallel_loop3A_276, %parallel_loop3A_277] {strides = array<i32>} : memref<8x16x128xf32, #tpu.memory_space<vmem>>, vector<16xf32>,
        tpu.vector_store %arg8[%parallel_loop3A_275, %parallel_loop3A_276, %parallel_loop3A_277], %parallel_loop3A_268 {strides = array<i32>} : memref<8x16x128xf32, #tpu.memory_space<vmem>>, vector<16xf32>,
      } {sc.loop_unroll_factor = 4 : i64, sc.parallel_access}
      %mul3A_146 = arith.constant 8 : i32
      %mul3A_147 = arith.muli %add3A_130, %mul3A_146 : i32
      %dma_start3A_148 = arith.constant 0 : i32
      %dma_start3A_149 = tpu.memref_slice %arg4[%mul3A_147, %mul3A_4, %dma_start3A_148] : memref<200x512x128xf32, #tpu.memory_space<hbm>> -> memref<8x16x128xf32, #tpu.memory_space<hbm>>
      %dma_start3A_150 = arith.constant 0 : i32
      %dma_start3A_151 = tpu.memref_slice %arg4[%mul3A_147, %mul3A_4, %dma_start3A_150] : memref<200x512x128xf32, #tpu.memory_space<hbm>> -> memref<8x16x128xf32, #tpu.memory_space<hbm>>
      tpu.enqueue_dma source(%arg8 : memref<8x16x128xf32, #tpu.memory_space<vmem>>) target(%dma_start3A_151 : memref<8x16x128xf32, #tpu.memory_space<hbm>>) target_semaphore(%arg15 : memref<!tpu.dma_semaphore, #tpu.memory_space<semaphore_mem>>)
      %add3A_152 = arith.constant 3 : i32
      %add3A_153 = arith.addi %add3A_130, %add3A_152 : i32
      %le3A = arith.constant 24 : i32
      %le3A_154 = arith.cmpi sle, %add3A_153, %le3A : i32
      %convert_element_type3A = arith.extui %le3A_154 : i1 to i32
      %cond3A = arith.constant 0 : i32
      %cond3A_155 = arith.cmpi ne, %convert_element_type3A, %cond3A : i32
      scf.if %cond3A_155 {
        %add3A_219 = arith.constant 3 : i32
        %add3A_220 = arith.addi %add3A_130, %add3A_219 : i32
        %mul3A_221 = arith.constant 131072 : i32
        %mul3A_222 = arith.muli %add3A_220, %mul3A_221 : i32
        %add3A_223 = arith.addi %mul3A_222, %mul3A_2 : i32
        %dma_start3A_224 = tpu.memref_slice %arg2[%add3A_223] : memref<3276800xi32, #tpu.memory_space<hbm>> -> memref<4096xi32, #tpu.memory_space<hbm>>
        %dma_start3A_225 = tpu.memref_slice %arg2[%add3A_223] : memref<3276800xi32, #tpu.memory_space<hbm>> -> memref<4096xi32, #tpu.memory_space<hbm>>
        tpu.enqueue_dma source(%dma_start3A_225 : memref<4096xi32, #tpu.memory_space<hbm>>) target(%arg5 : memref<4096xi32, #tpu.memory_space<vmem>>) target_semaphore(%arg12 : memref<!tpu.dma_semaphore, #tpu.memory_space<semaphore_mem>>)
      } else {
      }
      %add3A_156 = arith.constant 1 : i32
      %add3A_157 = arith.addi %add3A_128, %add3A_156 : i32
      %mul3A_158 = arith.constant 131072 : i32
      %mul3A_159 = arith.muli %add3A_157, %mul3A_158 : i32
      %add3A_160 = arith.addi %mul3A_159, %mul3A_2 : i32
      %dma_wait3A_161 = tpu.memref_slice %arg2[%add3A_160] : memref<3276800xi32, #tpu.memory_space<hbm>> -> memref<4096xi32, #tpu.memory_space<hbm>>
      %dma_wait3A_162 = tpu.memref_slice %arg2[%add3A_160] : memref<3276800xi32, #tpu.memory_space<hbm>> -> memref<4096xi32, #tpu.memory_space<hbm>>
      tpu.wait_dma2 semaphore(%arg13 : memref<!tpu.dma_semaphore, #tpu.memory_space<semaphore_mem>>) src(%dma_wait3A_162 : memref<4096xi32, #tpu.memory_space<hbm>>) dst(%arg6 : memref<4096xi32, #tpu.memory_space<vmem>>)
      %sub3A_163 = arith.constant 3 : i32
      %sub3A_164 = arith.subi %add3A_157, %sub3A_163 : i32
      %mul3A_165 = arith.constant 8 : i32
      %mul3A_166 = arith.muli %sub3A_164, %mul3A_165 : i32
      %dma_wait3A_167 = arith.constant 0 : i32
      %dma_wait3A_168 = tpu.memref_slice %arg4[%mul3A_166, %mul3A_4, %dma_wait3A_167] : memref<200x512x128xf32, #tpu.memory_space<hbm>> -> memref<8x16x128xf32, #tpu.memory_space<hbm>>
      %dma_wait3A_169 = arith.constant 0 : i32
      %dma_wait3A_170 = tpu.memref_slice %arg4[%mul3A_166, %mul3A_4, %dma_wait3A_169] : memref<200x512x128xf32, #tpu.memory_space<hbm>> -> memref<8x16x128xf32, #tpu.memory_space<hbm>>
      tpu.wait_dma2 semaphore(%arg16 : memref<!tpu.dma_semaphore, #tpu.memory_space<semaphore_mem>>) src(%arg9 : memref<8x16x128xf32, #tpu.memory_space<vmem>>) dst(%dma_wait3A_170 : memref<8x16x128xf32, #tpu.memory_space<hbm>>)
      %parallel_loop3A_171 = arith.constant 0 : i32
      %parallel_loop3A_172 = arith.constant 256 : i32
      %parallel_loop3A_173 = arith.constant 1 : i32
      scf.for %parallel_loop3A_219 = %parallel_loop3A_171 to %parallel_loop3A_172 step %parallel_loop3A_173  : i32 {
        %parallel_loop3A_220 = arith.constant 16 : i32
        %parallel_loop3A_221 = arith.muli %parallel_loop3A_219, %parallel_loop3A_220 : i32
        %parallel_loop3A_222 = arith.index_cast %parallel_loop3A_221 : i32 to index
        %parallel_loop3A_223 = tpu.vector_load %arg6[%parallel_loop3A_222] {strides = array<i32>} : memref<4096xi32, #tpu.memory_space<vmem>>, vector<16xi32>,
        %parallel_loop3A_224 = arith.constant 0 : i32
        %parallel_loop3A_225 = vector.broadcast %parallel_loop3A_224 : i32 to vector<16xi32>
        %parallel_loop3A_226 = arith.cmpi eq, %parallel_loop3A_223, %parallel_loop3A_225 : vector<16xi32>
        %parallel_loop3A_227 = arith.constant 6 : i32
        %parallel_loop3A_228 = arith.shrsi %parallel_loop3A_219, %parallel_loop3A_227 : i32
        %parallel_loop3A_229 = arith.constant 3 : i32
        %parallel_loop3A_230 = arith.shrsi %parallel_loop3A_219, %parallel_loop3A_229 : i32
        %parallel_loop3A_231 = arith.constant 7 : i32
        %parallel_loop3A_232 = arith.andi %parallel_loop3A_230, %parallel_loop3A_231 : i32
        %parallel_loop3A_233 = arith.constant 7 : i32
        %parallel_loop3A_234 = arith.andi %parallel_loop3A_219, %parallel_loop3A_233 : i32
        %parallel_loop3A_235 = arith.select %parallel_loop3A_226, %get3A_5, %get3A_13 : vector<16xi1>, vector<16xf32>
        %parallel_loop3A_236 = arith.constant 4 : i32
        %parallel_loop3A_237 = arith.muli %parallel_loop3A_228, %parallel_loop3A_236 : i32
        %parallel_loop3A_238 = arith.constant 0 : i32
        %parallel_loop3A_239 = arith.addi %parallel_loop3A_237, %parallel_loop3A_238 : i32
        %parallel_loop3A_240 = arith.constant 16 : i32
        %parallel_loop3A_241 = arith.muli %parallel_loop3A_234, %parallel_loop3A_240 : i32
        %parallel_loop3A_242 = arith.index_cast %parallel_loop3A_232 : i32 to index
        %parallel_loop3A_243 = arith.index_cast %parallel_loop3A_239 : i32 to index
        %parallel_loop3A_244 = arith.index_cast %parallel_loop3A_241 : i32 to index
        %parallel_loop3A_245 = tpu.vector_load %arg9[%parallel_loop3A_242, %parallel_loop3A_243, %parallel_loop3A_244] {strides = array<i32>} : memref<8x16x128xf32, #tpu.memory_space<vmem>>, vector<16xf32>,
        tpu.vector_store %arg9[%parallel_loop3A_242, %parallel_loop3A_243, %parallel_loop3A_244], %parallel_loop3A_235 {strides = array<i32>} : memref<8x16x128xf32, #tpu.memory_space<vmem>>, vector<16xf32>,
        %parallel_loop3A_246 = arith.select %parallel_loop3A_226, %get3A_7, %get3A_15 : vector<16xi1>, vector<16xf32>
        %parallel_loop3A_247 = arith.constant 4 : i32
        %parallel_loop3A_248 = arith.muli %parallel_loop3A_228, %parallel_loop3A_247 : i32
        %parallel_loop3A_249 = arith.constant 1 : i32
        %parallel_loop3A_250 = arith.addi %parallel_loop3A_248, %parallel_loop3A_249 : i32
        %parallel_loop3A_251 = arith.constant 16 : i32
        %parallel_loop3A_252 = arith.muli %parallel_loop3A_234, %parallel_loop3A_251 : i32
        %parallel_loop3A_253 = arith.index_cast %parallel_loop3A_232 : i32 to index
        %parallel_loop3A_254 = arith.index_cast %parallel_loop3A_250 : i32 to index
        %parallel_loop3A_255 = arith.index_cast %parallel_loop3A_252 : i32 to index
        %parallel_loop3A_256 = tpu.vector_load %arg9[%parallel_loop3A_253, %parallel_loop3A_254, %parallel_loop3A_255] {strides = array<i32>} : memref<8x16x128xf32, #tpu.memory_space<vmem>>, vector<16xf32>,
        tpu.vector_store %arg9[%parallel_loop3A_253, %parallel_loop3A_254, %parallel_loop3A_255], %parallel_loop3A_246 {strides = array<i32>} : memref<8x16x128xf32, #tpu.memory_space<vmem>>, vector<16xf32>,
        %parallel_loop3A_257 = arith.select %parallel_loop3A_226, %get3A_9, %get3A_17 : vector<16xi1>, vector<16xf32>
        %parallel_loop3A_258 = arith.constant 4 : i32
        %parallel_loop3A_259 = arith.muli %parallel_loop3A_228, %parallel_loop3A_258 : i32
        %parallel_loop3A_260 = arith.constant 2 : i32
        %parallel_loop3A_261 = arith.addi %parallel_loop3A_259, %parallel_loop3A_260 : i32
        %parallel_loop3A_262 = arith.constant 16 : i32
        %parallel_loop3A_263 = arith.muli %parallel_loop3A_234, %parallel_loop3A_262 : i32
        %parallel_loop3A_264 = arith.index_cast %parallel_loop3A_232 : i32 to index
        %parallel_loop3A_265 = arith.index_cast %parallel_loop3A_261 : i32 to index
        %parallel_loop3A_266 = arith.index_cast %parallel_loop3A_263 : i32 to index
        %parallel_loop3A_267 = tpu.vector_load %arg9[%parallel_loop3A_264, %parallel_loop3A_265, %parallel_loop3A_266] {strides = array<i32>} : memref<8x16x128xf32, #tpu.memory_space<vmem>>, vector<16xf32>,
        tpu.vector_store %arg9[%parallel_loop3A_264, %parallel_loop3A_265, %parallel_loop3A_266], %parallel_loop3A_257 {strides = array<i32>} : memref<8x16x128xf32, #tpu.memory_space<vmem>>, vector<16xf32>,
        %parallel_loop3A_268 = arith.select %parallel_loop3A_226, %get3A_11, %get3A_19 : vector<16xi1>, vector<16xf32>
        %parallel_loop3A_269 = arith.constant 4 : i32
        %parallel_loop3A_270 = arith.muli %parallel_loop3A_228, %parallel_loop3A_269 : i32
        %parallel_loop3A_271 = arith.constant 3 : i32
        %parallel_loop3A_272 = arith.addi %parallel_loop3A_270, %parallel_loop3A_271 : i32
        %parallel_loop3A_273 = arith.constant 16 : i32
        %parallel_loop3A_274 = arith.muli %parallel_loop3A_234, %parallel_loop3A_273 : i32
        %parallel_loop3A_275 = arith.index_cast %parallel_loop3A_232 : i32 to index
        %parallel_loop3A_276 = arith.index_cast %parallel_loop3A_272 : i32 to index
        %parallel_loop3A_277 = arith.index_cast %parallel_loop3A_274 : i32 to index
        %parallel_loop3A_278 = tpu.vector_load %arg9[%parallel_loop3A_275, %parallel_loop3A_276, %parallel_loop3A_277] {strides = array<i32>} : memref<8x16x128xf32, #tpu.memory_space<vmem>>, vector<16xf32>,
        tpu.vector_store %arg9[%parallel_loop3A_275, %parallel_loop3A_276, %parallel_loop3A_277], %parallel_loop3A_268 {strides = array<i32>} : memref<8x16x128xf32, #tpu.memory_space<vmem>>, vector<16xf32>,
      } {sc.loop_unroll_factor = 4 : i64, sc.parallel_access}
      %mul3A_174 = arith.constant 8 : i32
      %mul3A_175 = arith.muli %add3A_157, %mul3A_174 : i32
      %dma_start3A_176 = arith.constant 0 : i32
      %dma_start3A_177 = tpu.memref_slice %arg4[%mul3A_175, %mul3A_4, %dma_start3A_176] : memref<200x512x128xf32, #tpu.memory_space<hbm>> -> memref<8x16x128xf32, #tpu.memory_space<hbm>>
      %dma_start3A_178 = arith.constant 0 : i32
      %dma_start3A_179 = tpu.memref_slice %arg4[%mul3A_175, %mul3A_4, %dma_start3A_178] : memref<200x512x128xf32, #tpu.memory_space<hbm>> -> memref<8x16x128xf32, #tpu.memory_space<hbm>>
      tpu.enqueue_dma source(%arg9 : memref<8x16x128xf32, #tpu.memory_space<vmem>>) target(%dma_start3A_179 : memref<8x16x128xf32, #tpu.memory_space<hbm>>) target_semaphore(%arg16 : memref<!tpu.dma_semaphore, #tpu.memory_space<semaphore_mem>>)
      %add3A_180 = arith.constant 3 : i32
      %add3A_181 = arith.addi %add3A_157, %add3A_180 : i32
      %le3A_182 = arith.constant 24 : i32
      %le3A_183 = arith.cmpi sle, %add3A_181, %le3A_182 : i32
      %convert_element_type3A_184 = arith.extui %le3A_183 : i1 to i32
      %cond3A_185 = arith.constant 0 : i32
      %cond3A_186 = arith.cmpi ne, %convert_element_type3A_184, %cond3A_185 : i32
      scf.if %cond3A_186 {
        %add3A_219 = arith.constant 3 : i32
        %add3A_220 = arith.addi %add3A_157, %add3A_219 : i32
        %mul3A_221 = arith.constant 131072 : i32
        %mul3A_222 = arith.muli %add3A_220, %mul3A_221 : i32
        %add3A_223 = arith.addi %mul3A_222, %mul3A_2 : i32
        %dma_start3A_224 = tpu.memref_slice %arg2[%add3A_223] : memref<3276800xi32, #tpu.memory_space<hbm>> -> memref<4096xi32, #tpu.memory_space<hbm>>
        %dma_start3A_225 = tpu.memref_slice %arg2[%add3A_223] : memref<3276800xi32, #tpu.memory_space<hbm>> -> memref<4096xi32, #tpu.memory_space<hbm>>
        tpu.enqueue_dma source(%dma_start3A_225 : memref<4096xi32, #tpu.memory_space<hbm>>) target(%arg6 : memref<4096xi32, #tpu.memory_space<vmem>>) target_semaphore(%arg13 : memref<!tpu.dma_semaphore, #tpu.memory_space<semaphore_mem>>)
      } else {
      }
      %add3A_187 = arith.constant 2 : i32
      %add3A_188 = arith.addi %add3A_128, %add3A_187 : i32
      %mul3A_189 = arith.constant 131072 : i32
      %mul3A_190 = arith.muli %add3A_188, %mul3A_189 : i32
      %add3A_191 = arith.addi %mul3A_190, %mul3A_2 : i32
      %dma_wait3A_192 = tpu.memref_slice %arg2[%add3A_191] : memref<3276800xi32, #tpu.memory_space<hbm>> -> memref<4096xi32, #tpu.memory_space<hbm>>
      %dma_wait3A_193 = tpu.memref_slice %arg2[%add3A_191] : memref<3276800xi32, #tpu.memory_space<hbm>> -> memref<4096xi32, #tpu.memory_space<hbm>>
      tpu.wait_dma2 semaphore(%arg14 : memref<!tpu.dma_semaphore, #tpu.memory_space<semaphore_mem>>) src(%dma_wait3A_193 : memref<4096xi32, #tpu.memory_space<hbm>>) dst(%arg7 : memref<4096xi32, #tpu.memory_space<vmem>>)
      %sub3A_194 = arith.constant 3 : i32
      %sub3A_195 = arith.subi %add3A_188, %sub3A_194 : i32
      %mul3A_196 = arith.constant 8 : i32
      %mul3A_197 = arith.muli %sub3A_195, %mul3A_196 : i32
      %dma_wait3A_198 = arith.constant 0 : i32
      %dma_wait3A_199 = tpu.memref_slice %arg4[%mul3A_197, %mul3A_4, %dma_wait3A_198] : memref<200x512x128xf32, #tpu.memory_space<hbm>> -> memref<8x16x128xf32, #tpu.memory_space<hbm>>
      %dma_wait3A_200 = arith.constant 0 : i32
      %dma_wait3A_201 = tpu.memref_slice %arg4[%mul3A_197, %mul3A_4, %dma_wait3A_200] : memref<200x512x128xf32, #tpu.memory_space<hbm>> -> memref<8x16x128xf32, #tpu.memory_space<hbm>>
      tpu.wait_dma2 semaphore(%arg17 : memref<!tpu.dma_semaphore, #tpu.memory_space<semaphore_mem>>) src(%arg10 : memref<8x16x128xf32, #tpu.memory_space<vmem>>) dst(%dma_wait3A_201 : memref<8x16x128xf32, #tpu.memory_space<hbm>>)
      %parallel_loop3A_202 = arith.constant 0 : i32
      %parallel_loop3A_203 = arith.constant 256 : i32
      %parallel_loop3A_204 = arith.constant 1 : i32
      scf.for %parallel_loop3A_219 = %parallel_loop3A_202 to %parallel_loop3A_203 step %parallel_loop3A_204  : i32 {
        %parallel_loop3A_220 = arith.constant 16 : i32
        %parallel_loop3A_221 = arith.muli %parallel_loop3A_219, %parallel_loop3A_220 : i32
        %parallel_loop3A_222 = arith.index_cast %parallel_loop3A_221 : i32 to index
        %parallel_loop3A_223 = tpu.vector_load %arg7[%parallel_loop3A_222] {strides = array<i32>} : memref<4096xi32, #tpu.memory_space<vmem>>, vector<16xi32>,
        %parallel_loop3A_224 = arith.constant 0 : i32
        %parallel_loop3A_225 = vector.broadcast %parallel_loop3A_224 : i32 to vector<16xi32>
        %parallel_loop3A_226 = arith.cmpi eq, %parallel_loop3A_223, %parallel_loop3A_225 : vector<16xi32>
        %parallel_loop3A_227 = arith.constant 6 : i32
        %parallel_loop3A_228 = arith.shrsi %parallel_loop3A_219, %parallel_loop3A_227 : i32
        %parallel_loop3A_229 = arith.constant 3 : i32
        %parallel_loop3A_230 = arith.shrsi %parallel_loop3A_219, %parallel_loop3A_229 : i32
        %parallel_loop3A_231 = arith.constant 7 : i32
        %parallel_loop3A_232 = arith.andi %parallel_loop3A_230, %parallel_loop3A_231 : i32
        %parallel_loop3A_233 = arith.constant 7 : i32
        %parallel_loop3A_234 = arith.andi %parallel_loop3A_219, %parallel_loop3A_233 : i32
        %parallel_loop3A_235 = arith.select %parallel_loop3A_226, %get3A_5, %get3A_13 : vector<16xi1>, vector<16xf32>
        %parallel_loop3A_236 = arith.constant 4 : i32
        %parallel_loop3A_237 = arith.muli %parallel_loop3A_228, %parallel_loop3A_236 : i32
        %parallel_loop3A_238 = arith.constant 0 : i32
        %parallel_loop3A_239 = arith.addi %parallel_loop3A_237, %parallel_loop3A_238 : i32
        %parallel_loop3A_240 = arith.constant 16 : i32
        %parallel_loop3A_241 = arith.muli %parallel_loop3A_234, %parallel_loop3A_240 : i32
        %parallel_loop3A_242 = arith.index_cast %parallel_loop3A_232 : i32 to index
        %parallel_loop3A_243 = arith.index_cast %parallel_loop3A_239 : i32 to index
        %parallel_loop3A_244 = arith.index_cast %parallel_loop3A_241 : i32 to index
        %parallel_loop3A_245 = tpu.vector_load %arg10[%parallel_loop3A_242, %parallel_loop3A_243, %parallel_loop3A_244] {strides = array<i32>} : memref<8x16x128xf32, #tpu.memory_space<vmem>>, vector<16xf32>,
        tpu.vector_store %arg10[%parallel_loop3A_242, %parallel_loop3A_243, %parallel_loop3A_244], %parallel_loop3A_235 {strides = array<i32>} : memref<8x16x128xf32, #tpu.memory_space<vmem>>, vector<16xf32>,
        %parallel_loop3A_246 = arith.select %parallel_loop3A_226, %get3A_7, %get3A_15 : vector<16xi1>, vector<16xf32>
        %parallel_loop3A_247 = arith.constant 4 : i32
        %parallel_loop3A_248 = arith.muli %parallel_loop3A_228, %parallel_loop3A_247 : i32
        %parallel_loop3A_249 = arith.constant 1 : i32
        %parallel_loop3A_250 = arith.addi %parallel_loop3A_248, %parallel_loop3A_249 : i32
        %parallel_loop3A_251 = arith.constant 16 : i32
        %parallel_loop3A_252 = arith.muli %parallel_loop3A_234, %parallel_loop3A_251 : i32
        %parallel_loop3A_253 = arith.index_cast %parallel_loop3A_232 : i32 to index
        %parallel_loop3A_254 = arith.index_cast %parallel_loop3A_250 : i32 to index
        %parallel_loop3A_255 = arith.index_cast %parallel_loop3A_252 : i32 to index
        %parallel_loop3A_256 = tpu.vector_load %arg10[%parallel_loop3A_253, %parallel_loop3A_254, %parallel_loop3A_255] {strides = array<i32>} : memref<8x16x128xf32, #tpu.memory_space<vmem>>, vector<16xf32>,
        tpu.vector_store %arg10[%parallel_loop3A_253, %parallel_loop3A_254, %parallel_loop3A_255], %parallel_loop3A_246 {strides = array<i32>} : memref<8x16x128xf32, #tpu.memory_space<vmem>>, vector<16xf32>,
        %parallel_loop3A_257 = arith.select %parallel_loop3A_226, %get3A_9, %get3A_17 : vector<16xi1>, vector<16xf32>
        %parallel_loop3A_258 = arith.constant 4 : i32
        %parallel_loop3A_259 = arith.muli %parallel_loop3A_228, %parallel_loop3A_258 : i32
        %parallel_loop3A_260 = arith.constant 2 : i32
        %parallel_loop3A_261 = arith.addi %parallel_loop3A_259, %parallel_loop3A_260 : i32
        %parallel_loop3A_262 = arith.constant 16 : i32
        %parallel_loop3A_263 = arith.muli %parallel_loop3A_234, %parallel_loop3A_262 : i32
        %parallel_loop3A_264 = arith.index_cast %parallel_loop3A_232 : i32 to index
        %parallel_loop3A_265 = arith.index_cast %parallel_loop3A_261 : i32 to index
        %parallel_loop3A_266 = arith.index_cast %parallel_loop3A_263 : i32 to index
        %parallel_loop3A_267 = tpu.vector_load %arg10[%parallel_loop3A_264, %parallel_loop3A_265, %parallel_loop3A_266] {strides = array<i32>} : memref<8x16x128xf32, #tpu.memory_space<vmem>>, vector<16xf32>,
        tpu.vector_store %arg10[%parallel_loop3A_264, %parallel_loop3A_265, %parallel_loop3A_266], %parallel_loop3A_257 {strides = array<i32>} : memref<8x16x128xf32, #tpu.memory_space<vmem>>, vector<16xf32>,
        %parallel_loop3A_268 = arith.select %parallel_loop3A_226, %get3A_11, %get3A_19 : vector<16xi1>, vector<16xf32>
        %parallel_loop3A_269 = arith.constant 4 : i32
        %parallel_loop3A_270 = arith.muli %parallel_loop3A_228, %parallel_loop3A_269 : i32
        %parallel_loop3A_271 = arith.constant 3 : i32
        %parallel_loop3A_272 = arith.addi %parallel_loop3A_270, %parallel_loop3A_271 : i32
        %parallel_loop3A_273 = arith.constant 16 : i32
        %parallel_loop3A_274 = arith.muli %parallel_loop3A_234, %parallel_loop3A_273 : i32
        %parallel_loop3A_275 = arith.index_cast %parallel_loop3A_232 : i32 to index
        %parallel_loop3A_276 = arith.index_cast %parallel_loop3A_272 : i32 to index
        %parallel_loop3A_277 = arith.index_cast %parallel_loop3A_274 : i32 to index
        %parallel_loop3A_278 = tpu.vector_load %arg10[%parallel_loop3A_275, %parallel_loop3A_276, %parallel_loop3A_277] {strides = array<i32>} : memref<8x16x128xf32, #tpu.memory_space<vmem>>, vector<16xf32>,
        tpu.vector_store %arg10[%parallel_loop3A_275, %parallel_loop3A_276, %parallel_loop3A_277], %parallel_loop3A_268 {strides = array<i32>} : memref<8x16x128xf32, #tpu.memory_space<vmem>>, vector<16xf32>,
      } {sc.loop_unroll_factor = 4 : i64, sc.parallel_access}
      %mul3A_205 = arith.constant 8 : i32
      %mul3A_206 = arith.muli %add3A_188, %mul3A_205 : i32
      %dma_start3A_207 = arith.constant 0 : i32
      %dma_start3A_208 = tpu.memref_slice %arg4[%mul3A_206, %mul3A_4, %dma_start3A_207] : memref<200x512x128xf32, #tpu.memory_space<hbm>> -> memref<8x16x128xf32, #tpu.memory_space<hbm>>
      %dma_start3A_209 = arith.constant 0 : i32
      %dma_start3A_210 = tpu.memref_slice %arg4[%mul3A_206, %mul3A_4, %dma_start3A_209] : memref<200x512x128xf32, #tpu.memory_space<hbm>> -> memref<8x16x128xf32, #tpu.memory_space<hbm>>
      tpu.enqueue_dma source(%arg10 : memref<8x16x128xf32, #tpu.memory_space<vmem>>) target(%dma_start3A_210 : memref<8x16x128xf32, #tpu.memory_space<hbm>>) target_semaphore(%arg17 : memref<!tpu.dma_semaphore, #tpu.memory_space<semaphore_mem>>)
      %add3A_211 = arith.constant 3 : i32
      %add3A_212 = arith.addi %add3A_188, %add3A_211 : i32
      %le3A_213 = arith.constant 24 : i32
      %le3A_214 = arith.cmpi sle, %add3A_212, %le3A_213 : i32
      %convert_element_type3A_215 = arith.extui %le3A_214 : i1 to i32
      %cond3A_216 = arith.constant 0 : i32
      %cond3A_217 = arith.cmpi ne, %convert_element_type3A_215, %cond3A_216 : i32
      scf.if %cond3A_217 {
        %add3A_219 = arith.constant 3 : i32
        %add3A_220 = arith.addi %add3A_188, %add3A_219 : i32
        %mul3A_221 = arith.constant 131072 : i32
        %mul3A_222 = arith.muli %add3A_220, %mul3A_221 : i32
        %add3A_223 = arith.addi %mul3A_222, %mul3A_2 : i32
        %dma_start3A_224 = tpu.memref_slice %arg2[%add3A_223] : memref<3276800xi32, #tpu.memory_space<hbm>> -> memref<4096xi32, #tpu.memory_space<hbm>>
        %dma_start3A_225 = tpu.memref_slice %arg2[%add3A_223] : memref<3276800xi32, #tpu.memory_space<hbm>> -> memref<4096xi32, #tpu.memory_space<hbm>>
        tpu.enqueue_dma source(%dma_start3A_225 : memref<4096xi32, #tpu.memory_space<hbm>>) target(%arg7 : memref<4096xi32, #tpu.memory_space<vmem>>) target_semaphore(%arg14 : memref<!tpu.dma_semaphore, #tpu.memory_space<semaphore_mem>>)
      } else {
      }
      %scan3A_218 = arith.constant 0 : i32
      scf.yield %scan3A_218 : i32
    }
    %scan3A_85 = arith.constant 7 : i32
    %add3A_86 = arith.constant 3145728 : i32
    %add3A_87 = arith.addi %add3A_86, %mul3A_2 : i32
    %dma_wait3A_88 = tpu.memref_slice %arg2[%add3A_87] : memref<3276800xi32, #tpu.memory_space<hbm>> -> memref<4096xi32, #tpu.memory_space<hbm>>
    %dma_wait3A_89 = tpu.memref_slice %arg2[%add3A_87] : memref<3276800xi32, #tpu.memory_space<hbm>> -> memref<4096xi32, #tpu.memory_space<hbm>>
    tpu.wait_dma2 semaphore(%arg12 : memref<!tpu.dma_semaphore, #tpu.memory_space<semaphore_mem>>) src(%dma_wait3A_89 : memref<4096xi32, #tpu.memory_space<hbm>>) dst(%arg5 : memref<4096xi32, #tpu.memory_space<vmem>>)
    %dma_wait3A_90 = arith.constant 168 : i32
    %dma_wait3A_91 = arith.constant 0 : i32
    %dma_wait3A_92 = tpu.memref_slice %arg4[%dma_wait3A_90, %mul3A_4, %dma_wait3A_91] : memref<200x512x128xf32, #tpu.memory_space<hbm>> -> memref<8x16x128xf32, #tpu.memory_space<hbm>>
    %dma_wait3A_93 = arith.constant 168 : i32
    %dma_wait3A_94 = arith.constant 0 : i32
    %dma_wait3A_95 = tpu.memref_slice %arg4[%dma_wait3A_93, %mul3A_4, %dma_wait3A_94] : memref<200x512x128xf32, #tpu.memory_space<hbm>> -> memref<8x16x128xf32, #tpu.memory_space<hbm>>
    tpu.wait_dma2 semaphore(%arg15 : memref<!tpu.dma_semaphore, #tpu.memory_space<semaphore_mem>>) src(%arg8 : memref<8x16x128xf32, #tpu.memory_space<vmem>>) dst(%dma_wait3A_95 : memref<8x16x128xf32, #tpu.memory_space<hbm>>)
    %parallel_loop3A_96 = arith.constant 0 : i32
    %parallel_loop3A_97 = arith.constant 256 : i32
    %parallel_loop3A_98 = arith.constant 1 : i32
    scf.for %parallel_loop3A_123 = %parallel_loop3A_96 to %parallel_loop3A_97 step %parallel_loop3A_98  : i32 {
      %parallel_loop3A_124 = arith.constant 16 : i32
      %parallel_loop3A_125 = arith.muli %parallel_loop3A_123, %parallel_loop3A_124 : i32
      %parallel_loop3A_126 = arith.index_cast %parallel_loop3A_125 : i32 to index
      %parallel_loop3A_127 = tpu.vector_load %arg5[%parallel_loop3A_126] {strides = array<i32>} : memref<4096xi32, #tpu.memory_space<vmem>>, vector<16xi32>,
      %parallel_loop3A_128 = arith.constant 0 : i32
      %parallel_loop3A_129 = vector.broadcast %parallel_loop3A_128 : i32 to vector<16xi32>
      %parallel_loop3A_130 = arith.cmpi eq, %parallel_loop3A_127, %parallel_loop3A_129 : vector<16xi32>
      %parallel_loop3A_131 = arith.constant 6 : i32
      %parallel_loop3A_132 = arith.shrsi %parallel_loop3A_123, %parallel_loop3A_131 : i32
      %parallel_loop3A_133 = arith.constant 3 : i32
      %parallel_loop3A_134 = arith.shrsi %parallel_loop3A_123, %parallel_loop3A_133 : i32
      %parallel_loop3A_135 = arith.constant 7 : i32
      %parallel_loop3A_136 = arith.andi %parallel_loop3A_134, %parallel_loop3A_135 : i32
      %parallel_loop3A_137 = arith.constant 7 : i32
      %parallel_loop3A_138 = arith.andi %parallel_loop3A_123, %parallel_loop3A_137 : i32
      %parallel_loop3A_139 = arith.select %parallel_loop3A_130, %get3A_5, %get3A_13 : vector<16xi1>, vector<16xf32>
      %parallel_loop3A_140 = arith.constant 4 : i32
      %parallel_loop3A_141 = arith.muli %parallel_loop3A_132, %parallel_loop3A_140 : i32
      %parallel_loop3A_142 = arith.constant 0 : i32
      %parallel_loop3A_143 = arith.addi %parallel_loop3A_141, %parallel_loop3A_142 : i32
      %parallel_loop3A_144 = arith.constant 16 : i32
      %parallel_loop3A_145 = arith.muli %parallel_loop3A_138, %parallel_loop3A_144 : i32
      %parallel_loop3A_146 = arith.index_cast %parallel_loop3A_136 : i32 to index
      %parallel_loop3A_147 = arith.index_cast %parallel_loop3A_143 : i32 to index
      %parallel_loop3A_148 = arith.index_cast %parallel_loop3A_145 : i32 to index
      %parallel_loop3A_149 = tpu.vector_load %arg8[%parallel_loop3A_146, %parallel_loop3A_147, %parallel_loop3A_148] {strides = array<i32>} : memref<8x16x128xf32, #tpu.memory_space<vmem>>, vector<16xf32>,
      tpu.vector_store %arg8[%parallel_loop3A_146, %parallel_loop3A_147, %parallel_loop3A_148], %parallel_loop3A_139 {strides = array<i32>} : memref<8x16x128xf32, #tpu.memory_space<vmem>>, vector<16xf32>,
      %parallel_loop3A_150 = arith.select %parallel_loop3A_130, %get3A_7, %get3A_15 : vector<16xi1>, vector<16xf32>
      %parallel_loop3A_151 = arith.constant 4 : i32
      %parallel_loop3A_152 = arith.muli %parallel_loop3A_132, %parallel_loop3A_151 : i32
      %parallel_loop3A_153 = arith.constant 1 : i32
      %parallel_loop3A_154 = arith.addi %parallel_loop3A_152, %parallel_loop3A_153 : i32
      %parallel_loop3A_155 = arith.constant 16 : i32
      %parallel_loop3A_156 = arith.muli %parallel_loop3A_138, %parallel_loop3A_155 : i32
      %parallel_loop3A_157 = arith.index_cast %parallel_loop3A_136 : i32 to index
      %parallel_loop3A_158 = arith.index_cast %parallel_loop3A_154 : i32 to index
      %parallel_loop3A_159 = arith.index_cast %parallel_loop3A_156 : i32 to index
      %parallel_loop3A_160 = tpu.vector_load %arg8[%parallel_loop3A_157, %parallel_loop3A_158, %parallel_loop3A_159] {strides = array<i32>} : memref<8x16x128xf32, #tpu.memory_space<vmem>>, vector<16xf32>,
      tpu.vector_store %arg8[%parallel_loop3A_157, %parallel_loop3A_158, %parallel_loop3A_159], %parallel_loop3A_150 {strides = array<i32>} : memref<8x16x128xf32, #tpu.memory_space<vmem>>, vector<16xf32>,
      %parallel_loop3A_161 = arith.select %parallel_loop3A_130, %get3A_9, %get3A_17 : vector<16xi1>, vector<16xf32>
      %parallel_loop3A_162 = arith.constant 4 : i32
      %parallel_loop3A_163 = arith.muli %parallel_loop3A_132, %parallel_loop3A_162 : i32
      %parallel_loop3A_164 = arith.constant 2 : i32
      %parallel_loop3A_165 = arith.addi %parallel_loop3A_163, %parallel_loop3A_164 : i32
      %parallel_loop3A_166 = arith.constant 16 : i32
      %parallel_loop3A_167 = arith.muli %parallel_loop3A_138, %parallel_loop3A_166 : i32
      %parallel_loop3A_168 = arith.index_cast %parallel_loop3A_136 : i32 to index
      %parallel_loop3A_169 = arith.index_cast %parallel_loop3A_165 : i32 to index
      %parallel_loop3A_170 = arith.index_cast %parallel_loop3A_167 : i32 to index
      %parallel_loop3A_171 = tpu.vector_load %arg8[%parallel_loop3A_168, %parallel_loop3A_169, %parallel_loop3A_170] {strides = array<i32>} : memref<8x16x128xf32, #tpu.memory_space<vmem>>, vector<16xf32>,
      tpu.vector_store %arg8[%parallel_loop3A_168, %parallel_loop3A_169, %parallel_loop3A_170], %parallel_loop3A_161 {strides = array<i32>} : memref<8x16x128xf32, #tpu.memory_space<vmem>>, vector<16xf32>,
      %parallel_loop3A_172 = arith.select %parallel_loop3A_130, %get3A_11, %get3A_19 : vector<16xi1>, vector<16xf32>
      %parallel_loop3A_173 = arith.constant 4 : i32
      %parallel_loop3A_174 = arith.muli %parallel_loop3A_132, %parallel_loop3A_173 : i32
      %parallel_loop3A_175 = arith.constant 3 : i32
      %parallel_loop3A_176 = arith.addi %parallel_loop3A_174, %parallel_loop3A_175 : i32
      %parallel_loop3A_177 = arith.constant 16 : i32
      %parallel_loop3A_178 = arith.muli %parallel_loop3A_138, %parallel_loop3A_177 : i32
      %parallel_loop3A_179 = arith.index_cast %parallel_loop3A_136 : i32 to index
      %parallel_loop3A_180 = arith.index_cast %parallel_loop3A_176 : i32 to index
      %parallel_loop3A_181 = arith.index_cast %parallel_loop3A_178 : i32 to index
      %parallel_loop3A_182 = tpu.vector_load %arg8[%parallel_loop3A_179, %parallel_loop3A_180, %parallel_loop3A_181] {strides = array<i32>} : memref<8x16x128xf32, #tpu.memory_space<vmem>>, vector<16xf32>,
      tpu.vector_store %arg8[%parallel_loop3A_179, %parallel_loop3A_180, %parallel_loop3A_181], %parallel_loop3A_172 {strides = array<i32>} : memref<8x16x128xf32, #tpu.memory_space<vmem>>, vector<16xf32>,
    } {sc.loop_unroll_factor = 4 : i64, sc.parallel_access}
    %dma_start3A_99 = arith.constant 192 : i32
    %dma_start3A_100 = arith.constant 0 : i32
    %dma_start3A_101 = tpu.memref_slice %arg4[%dma_start3A_99, %mul3A_4, %dma_start3A_100] : memref<200x512x128xf32, #tpu.memory_space<hbm>> -> memref<8x16x128xf32, #tpu.memory_space<hbm>>
    %dma_start3A_102 = arith.constant 192 : i32
    %dma_start3A_103 = arith.constant 0 : i32
    %dma_start3A_104 = tpu.memref_slice %arg4[%dma_start3A_102, %mul3A_4, %dma_start3A_103] : memref<200x512x128xf32, #tpu.memory_space<hbm>> -> memref<8x16x128xf32, #tpu.memory_space<hbm>>
    tpu.enqueue_dma source(%arg8 : memref<8x16x128xf32, #tpu.memory_space<vmem>>) target(%dma_start3A_104 : memref<8x16x128xf32, #tpu.memory_space<hbm>>) target_semaphore(%arg15 : memref<!tpu.dma_semaphore, #tpu.memory_space<semaphore_mem>>)
    %dma_wait3A_105 = arith.constant 176 : i32
    %dma_wait3A_106 = arith.constant 0 : i32
    %dma_wait3A_107 = tpu.memref_slice %arg4[%dma_wait3A_105, %mul3A_4, %dma_wait3A_106] : memref<200x512x128xf32, #tpu.memory_space<hbm>> -> memref<8x16x128xf32, #tpu.memory_space<hbm>>
    %dma_wait3A_108 = arith.constant 176 : i32
    %dma_wait3A_109 = arith.constant 0 : i32
    %dma_wait3A_110 = tpu.memref_slice %arg4[%dma_wait3A_108, %mul3A_4, %dma_wait3A_109] : memref<200x512x128xf32, #tpu.memory_space<hbm>> -> memref<8x16x128xf32, #tpu.memory_space<hbm>>
    tpu.wait_dma2 semaphore(%arg16 : memref<!tpu.dma_semaphore, #tpu.memory_space<semaphore_mem>>) src(%arg9 : memref<8x16x128xf32, #tpu.memory_space<vmem>>) dst(%dma_wait3A_110 : memref<8x16x128xf32, #tpu.memory_space<hbm>>)
    %dma_wait3A_111 = arith.constant 184 : i32
    %dma_wait3A_112 = arith.constant 0 : i32
    %dma_wait3A_113 = tpu.memref_slice %arg4[%dma_wait3A_111, %mul3A_4, %dma_wait3A_112] : memref<200x512x128xf32, #tpu.memory_space<hbm>> -> memref<8x16x128xf32, #tpu.memory_space<hbm>>
    %dma_wait3A_114 = arith.constant 184 : i32
    %dma_wait3A_115 = arith.constant 0 : i32
    %dma_wait3A_116 = tpu.memref_slice %arg4[%dma_wait3A_114, %mul3A_4, %dma_wait3A_115] : memref<200x512x128xf32, #tpu.memory_space<hbm>> -> memref<8x16x128xf32, #tpu.memory_space<hbm>>
    tpu.wait_dma2 semaphore(%arg17 : memref<!tpu.dma_semaphore, #tpu.memory_space<semaphore_mem>>) src(%arg10 : memref<8x16x128xf32, #tpu.memory_space<vmem>>) dst(%dma_wait3A_116 : memref<8x16x128xf32, #tpu.memory_space<hbm>>)
    %dma_wait3A_117 = arith.constant 192 : i32
    %dma_wait3A_118 = arith.constant 0 : i32
    %dma_wait3A_119 = tpu.memref_slice %arg4[%dma_wait3A_117, %mul3A_4, %dma_wait3A_118] : memref<200x512x128xf32, #tpu.memory_space<hbm>> -> memref<8x16x128xf32, #tpu.memory_space<hbm>>
    %dma_wait3A_120 = arith.constant 192 : i32
    %dma_wait3A_121 = arith.constant 0 : i32
    %dma_wait3A_122 = tpu.memref_slice %arg4[%dma_wait3A_120, %mul3A_4, %dma_wait3A_121] : memref<200x512x128xf32, #tpu.memory_space<hbm>> -> memref<8x16x128xf32, #tpu.memory_space<hbm>>
    tpu.wait_dma2 semaphore(%arg15 : memref<!tpu.dma_semaphore, #tpu.memory_space<semaphore_mem>>) src(%arg8 : memref<8x16x128xf32, #tpu.memory_space<vmem>>) dst(%dma_wait3A_122 : memref<8x16x128xf32, #tpu.memory_space<hbm>>)
    return
  }
}

</mosaic_0001>

<sc_bundles>
// kernel: kernel.3.cloned.1.call-start
scs
__scs_entry_jumppad:
0x0: {  	(pc) =	sbr.rel $0x88, $3  }
0x1: {  	(tag) =	ssettag $0x0;
	lr =	simm.s32 $0x1  }
0x2: {  	[smem:$0x3F9F] =	sst lr;
	_ =	strace $0xD0000000  }
0x3: {  	_ = 	snop  }
0x4: {  	_ = 	snop  }
0x5: {  	_ = 	snop  }
0x6: {  	_ = 	snop  }
0x7: {  	_ = 	snop  }
__scs_overlays_trampoline_lowered:
0x8: {  	[smem:$0x3FAE] =	sst s0  }
0x9: {  	[smem:$0x3FAF] =	sst s1  }
0xa: {  	[smem:$0x3FB0] =	sst s2  }
0xb: {  	[smem:$0x3FB1] =	sst s3  }
0xc: {  	[smem:$0x3FB2] =	sst s4  }
0xd: {  	[smem:$0x3FB3] =	sst s5  }
0xe: {  	[smem:$0x3FB4] =	sst s6  }
0xf: {  	[smem:$0x3FB5] =	sst s7  }
0x10: {  	[smem:$0x3FB6] =	sst s8  }
0x11: {  	[smem:$0x3FB7] =	sst s9;
	s0 =	simm.s32 @!p0 $0x0  }
0x12: {  	s1 =	sld [smem:$0x3F9D];
	s0 =	simm.s32 @p0 $0x1  }
0x13: {  	[smem:$0x3FB8] =	sst s0;
	s0 =	simm.s32 @!p1 $0x0  }
0x14: {  	s2 =	sld [smem:$0x3F9C];
	s0 =	simm.s32 @p1 $0x1  }
0x15: {  	[smem:$0x3FB9] =	sst s0;
	s0 =	simm.s32 @!p2 $0x0  }
0x16: {  	s3 =	sld [smem:$0x3FDB];
	s0 =	simm.s32 @p2 $0x1  }
0x17: {  	s4 =	simm.s32 $0x1BF5;
	[smem:$0x3FBB] =	sst s0  }
0x18: {  	s0 =	sld [smem:$0x3F9E];
	_ =	swait.ge [sflag:s4], $0x0  }
0x19: {  	s7 =	sld [smem:$0x3F9F]  }
0x1a: {  	s8 =	sadd.s32 $0xFFFFE003, lr  }
0x1b: {  	s9 =	sadd.s32 $0xFFFFFEF7, lr;
	s5 =	simm.s32 $0xFFFFFFFF;
	p2 =	slt.u32 s8, $0xFFFFF086  }
0x1c: {  	p1 =	slt.u32 s9, $0xF7A;
	s5 =	simm.s32 @!p2 $0x0  }
0x1d: {  	s5 =	simm.s32 @p1 $0x1;
	p0 =	seq.s32 s7, s2  }
0x1e: {  	s7 =	smul.u32 @!p0 $0xF7A, s2;
	p2 =	seq.s32 @!p0 s5, $0x0  }
0x1f: {  	s9 =	smul.u32 $0xF7A, s1;
	s8 =	simm.s32 @!p0 $0x1BF5;
	p2 =	por !p2, p0  }
0x20: {  	[sflag:s8] =	ssyncset.s32 @!p0 $0xFFFFF086;
	s6 =	sadd.s32 @!p0 s3, s7;
	s7 =	simm.s32 @!p0 $0x108  }
0x21: {  	s3 =	sadd.s32 s3, s9;
	s6 =	sadd.s32 @!p0 $0x88, s6;
	s7 =	simm.s32 @p2 $0x1082  }
0x22: {  	[simem:s7], [sflag:s8] =	dma.local @!p0 [hbm:s6], $0xF7A  }
0x23: {  	s9 =	sor.u32 $0xD0000000, s2;
	s6 =	simm.s32 $0x108;
	_ =	swait.ge @!p0 [sflag:s8], $0x0  }
0x24: {  	s3 =	sadd.s32 $0x88, s3;
	s6 =	simm.s32 @!p1 $0x1082;
	[sflag:s4] =	ssyncset.s32 $0xFFFFF086  }
0x25: {  	[simem:s6], [sflag:s4] =	dma.local [hbm:s3], $0xF7A  }
0x26: {  	[smem:$0x3F9F] =	sst s1;
	(tag) =	ssettag s2;
	_ =	strace s9  }
0x27: {  	s1 =	sld [smem:$0x3FAF]  }
0x28: {  	s2 =	sld [smem:$0x3FB0]  }
0x29: {  	s4 =	sld [smem:$0x3FB2]  }
0x2a: {  	p0 =	seq.s32 s5, $0x0;
	s5 =	sld [smem:$0x3FB3]  }
0x2b: {  	s6 =	sld [smem:$0x3FB4]  }
0x2c: {  	s7 =	sld [smem:$0x3FB5]  }
0x2d: {  	s3 =	simm.s32 $0x108;
	s8 =	sld [smem:$0x3FB6]  }
0x2e: {  	s3 =	simm.s32 @!p0 $0x1082;
	s9 =	sld [smem:$0x3FB7]  }
0x2f: {  	lr =	sadd.s32 s0, s3;
	s0 =	sld [smem:$0x3FAE]  }
0x30: {  	s3 =	sld [smem:$0x3FB1]  }
0x31: {  	[smem:$0x3FBA] =	sst s10  }
0x32: {  	s10 =	sld [smem:$0x3FB8];
	_ =	sdelay $0x3  }
0x33: {  	p0 =	seq.s32 s10, $0x1;
	s10 =	sld [smem:$0x3FBA];
	_ =	sdelay $0x3  }
0x34: {  	[smem:$0x3FBA] =	sst s10  }
0x35: {  	s10 =	sld [smem:$0x3FB9];
	_ =	sdelay $0x3  }
0x36: {  	p1 =	seq.s32 s10, $0x1;
	s10 =	sld [smem:$0x3FBA];
	_ =	sdelay $0x3  }
0x37: {  	[smem:$0x3FBA] =	sst s10  }
0x38: {  	s10 =	sld [smem:$0x3FBB]  }
0x39: {  	_ = 	snop;
	(pc) =	sbr.ind lr, $3  }
0x3a: {  	_ = 	snop  }
0x3b: {  	_ = 	snop  }
0x3c: {  	p2 =	seq.s32 s10, $0x1;
	s10 =	sld [smem:$0x3FBA]  }
0x3d: {  	_ =	shalt  }
0x3e: {  	_ =	shalt  }
0x3f: {  	_ =	shalt  }
0x40: {  	_ =	shalt  }
0x41: {  	_ =	shalt  }
0x42: {  	_ =	shalt  }
0x43: {  	_ =	shalt  }
0x44: {  	_ =	shalt  }
0x45: {  	_ =	shalt  }
0x46: {  	_ =	shalt  }
0x47: {  	_ =	shalt  }
0x48: {  	_ =	shalt  }
0x49: {  	_ =	shalt  }
0x4a: {  	_ =	shalt  }
0x4b: {  	_ =	shalt  }
0x4c: {  	_ =	shalt  }
0x4d: {  	_ =	shalt  }
0x4e: {  	_ =	shalt  }
0x4f: {  	_ =	shalt  }
0x50: {  	_ =	shalt  }
0x51: {  	_ =	shalt  }
0x52: {  	_ =	shalt  }
0x53: {  	_ =	shalt  }
0x54: {  	_ =	shalt  }
0x55: {  	_ =	shalt  }
0x56: {  	_ =	shalt  }
0x57: {  	_ =	shalt  }
0x58: {  	_ =	shalt  }
0x59: {  	_ =	shalt  }
0x5a: {  	_ =	shalt  }
0x5b: {  	_ =	shalt  }
0x5c: {  	_ =	shalt  }
0x5d: {  	_ =	shalt  }
0x5e: {  	_ =	shalt  }
0x5f: {  	_ =	shalt  }
0x60: {  	_ =	shalt  }
0x61: {  	_ =	shalt  }
0x62: {  	_ =	shalt  }
0x63: {  	_ =	shalt  }
0x64: {  	_ =	shalt  }
0x65: {  	_ =	shalt  }
0x66: {  	_ =	shalt  }
0x67: {  	_ =	shalt  }
0x68: {  	_ =	shalt  }
0x69: {  	_ =	shalt  }
0x6a: {  	_ =	shalt  }
0x6b: {  	_ =	shalt  }
0x6c: {  	_ =	shalt  }
0x6d: {  	_ =	shalt  }
0x6e: {  	_ =	shalt  }
0x6f: {  	_ =	shalt  }
0x70: {  	_ =	shalt  }
0x71: {  	_ =	shalt  }
0x72: {  	_ =	shalt  }
0x73: {  	_ =	shalt  }
0x74: {  	_ =	shalt  }
0x75: {  	_ =	shalt  }
0x76: {  	_ =	shalt  }
0x77: {  	_ =	shalt  }
0x78: {  	_ =	shalt  }
0x79: {  	_ =	shalt  }
0x7a: {  	_ =	shalt  }
0x7b: {  	_ =	shalt  }
0x7c: {  	_ =	shalt  }
0x7d: {  	_ =	shalt  }
0x7e: {  	_ =	shalt  }
0x7f: {  	_ =	shalt  }
0x80: {  	_ =	shalt  }
0x81: {  	_ =	shalt  }
0x82: {  	_ =	shalt  }
0x83: {  	_ =	shalt  }
0x84: {  	_ =	shalt  }
0x85: {  	_ =	shalt  }
0x86: {  	_ =	shalt  }
0x87: {  	_ =	shalt  }
.Lfunc_end0:
.L_simem_size_0:
called_computation_lowered:
.L_overlay_start_0:
0x88: {  	s2 =	sld [smem:$0x3FD9]  }
0x89: {  	s3 =	sld [smem:$0x3FFE];
	_ =	sdelay $0x1  }
0x8a: {  	s1 =	srdreg.scid  }
0x8b: {  	s0 =	sand.u32 $0x1, s1  }
0x8c: {  	s17 =	sshll.u32 s0, $0xA;
	s2 =	sadd.s32 s3, s2  }
0x8d: {  	s2 =	sadd.s32 s2, s17  }
0x8e: {  	[smem:$0x3FC6] =	sst s2  }
0x8f: {  	_ = 	snop  }
0x90: {  	s2 =	sld [smem:$0x3FC9]  }
0x91: {  	s18 =	sld [smem:$0x3FD0];
	(tm) =	ssettm $0x1  }
0x92: {  	s4 =	sld [smem:$0x3FFB];
	_ =	sdelay $0x3  }
0x93: {  	_ =	strace s4  }
0x94: {  	s4 =	sld [smem:$0x3FFC];
	_ =	sdelay $0x3  }
0x95: {  	_ =	strace s4  }
0x96: {  	s4 =	sld [smem:$0x3FFD];
	_ =	sdelay $0x3  }
0x97: {  	_ =	strace s4  }
0x98: {  	_ =	strace $0x8FFFFFFF  }
0x99: {  	s19 =	sld [smem:$0x3FDB];
	_ =	sdelay $0x1  }
0x9a: {  	s5 =	simm.s32 $_scs_section_size  }
0x9b: {  	s6 =	simm.s32 $_size__tile_overlayer_lowered;
	s7 =	simm.s32 $_tile_overlayer_lowered  }
0x9c: {  	s22 =	simm.s32 $0x1BFF;
	s21 =	sshll.u32 s7, $0x1;
	s4 =	sadd.s32 s5, s19  }
0x9d: {  	s8 =	simm.s32 $0x0;
	s20 =	sshll.u32 s6, $0x1;
	s6 =	sadd.s32 s21, s4  }
0x9e: {  	[timem:s8], [sflag:s22] =	dma.local [hbm:s6], s20  }
0x9f: {  	_ =	swait.ge [sflag:s22], s20  }
0xa0: {  	s5 =	ssub.s32 $0x0, s20;
	[sflag:s22] =	ssyncset.done $0x0  }
0xa1: {  	[sflag:s22] =	ssyncadd.s32 s5;
	_ =	sdelay $0x1  }
0xa2: {  	s23 =	simm.s32 $0x1B8B  }
0xa3: {  	_ =	swait.ge [sflag:s23], $0x1  }
0xa4: {  	[sflag:s23] =	ssyncset.done $0x0  }
0xa5: {  	s25 =	simm.s32 $0x1B8E;
	s24 =	sld [smem:$0x3FFE];
	[sflag:s23] =	ssyncadd.s32 $0xFFFFFFFF  }
0xa6: {  	s26 =	simm.s32 $execute0_lowered;
	[smem:$0x3FD2] =	sst s25  }
0xa7: {  	s6 =	sshll.u32 s26, $0x1;
	_ =	strace $0x80000046;
	[dreg:$0x1] =	wrdreg $0xFFFFFFFF  }
0xa8: {  	s28 =	simm.s32 $_size_execute0_lowered;
	s4 =	sadd.s32 s4, s6;
	[dreg:$0x0] =	wrdreg $0x0  }
0xa9: {  	s6 =	sshll.u32 s28, $0x1;
	[dreg:$0x2] =	wrdreg s4  }
0xaa: {  	[dreg:$0x3] =	wrdreg s6  }
0xab: {  	[dreg:$0x4] =	wrdreg $0xC0  }
0xac: {  	_ =	task [dreg:s8], $0x5FFFF  }
0xad: {  	[dreg:$0x1] =	wrdreg $0xFFFFFFFF  }
0xae: {  	[dreg:$0x0] =	wrdreg $0x60  }
0xaf: {  	[dreg:$0x2] =	wrdreg s2  }
0xb0: {  	[dreg:$0x3] =	wrdreg s24  }
0xb1: {  	[dreg:$0x4] =	wrdreg s18  }
0xb2: {  	[dreg:$0x5] =	wrdreg $0x9  }
0xb3: {  	_ =	task.clear_ibuf [dreg:s8], $0x6FFFF;
	_ =	strace $0x90000046  }
0xb4: {  	s29 =	simm.s32 $0x9;
	_ =	strace $0x80000048  }
0xb5: {  	_ =	swait.ge [sflag:s29], $0x1  }
0xb6: {  	[sflag:s29] =	ssyncadd.s32 $0xFFFFFFFF  }
0xb7: {  	_ =	strace $0x90000048  }
0xb8: {  	_ =	sfence  }
0xb9: {  	s30 =	sld [smem:$0x0];
	_ =	sdelay $0x2  }
0xba: {  	s31 =	sshll.u32 s1, $0xD;
	s1 =	sshrl.u32 s1, $0x2  }
0xbb: {  	s3 =	sand.u32 $0x4000, s31;
	s1 =	sadd.s32 s1, s30  }
0xbc: {  	s0 =	sor.u32 s3, s0;
	s1 =	sshll.u32 s1, $0x11  }
0xbd: {  	s0 =	sor.u32 s1, s0  }
0xbe: {  	s0 =	sadd.s32 $0x8F2B, s0  }
0xbf: {  	[sflag:s0] =	ssyncadd.remote.s32 $0x1  }
0xc0: {  	_ =	sfence.sel $0xFFFF  }
0xc1: {  	[dreg:$0x0] =	wrdreg $0xFFFFFFFF;
	(pc) =	sbr.abs _section_cstart, $3  }
0xc2: {  	[dreg:$0x1] =	wrdreg $0xFFFFFFFF  }
0xc3: {  	_ =	task.clear_ibuf [dreg:s8], $0x2FFFF;
	_ =	strace $0x9FFFFFFF  }
0xc4: {  	(tm) =	ssettm $0x7FFFFFFF  }
0xc5: {  	_ =	shalt  }
tec
execute0_lowered:
.L_overlay_start_1:
0x0: {  	(tag) =	ssettag $0x1  }
0x1: {  	s1 =	rddreg [dreg:$0x0]  }
0x2: {  	s0 =	rddreg [dreg:$0x1]  }
0x3: {  	s3 =	rddreg [dreg:$0x2];
	s2 =	srdreg.scid  }
0x4: {  	s4 =	simm.s32 $0x0;
	s5 =	stileid.u32;
	s2 =	sand.u32 $0x1, s2  }
0x5: {  	[smem:$0x7FF] =	sst s4;
	s5 =	sshll.u32 s5, $0x1;
	s0 =	sadd.s32 $0x400, s0  }
0x6: {  	s12 =	ssub.s32 $0x2, s2;
	_ =	strace $0x80000047;
	s2 =	sor.u32 s2, s5  }
0x7: {  	[dreg:$0x4] =	wrdreg s0;
	s14 =	sshll.u32 s2, $0x9;
	s5 =	sshll.u32 s2, $0xC  }
0x8: {  	s16 =	sshll.u32 s2, $0x8;
	s2 =	sshll.u32 s2, $0xB;
	s15 =	sadd.s32 s1, s14  }
0x9: {  	s22 =	sor.u32 $0x180000, s2;
	[dreg:$0x5] =	wrdreg s15  }
0xa: {  	s23 =	sor.u32 $0xC0000, s5;
	[dreg:$0xe] =	wrdreg s22  }
0xb: {  	s24 =	sor.u32 $0x200000, s2;
	[dreg:$0xf] =	wrdreg s23  }
0xc: {  	s25 =	sor.u32 $0xE0000, s5;
	[dreg:$0x10] =	wrdreg s24  }
0xd: {  	s2 =	sor.u32 $0x280000, s2;
	[dreg:$0x11] =	wrdreg s25  }
0xe: {  	s26 =	sor.u32 $0x100000, s5;
	[dreg:$0x12] =	wrdreg s2  }
0xf: {  	s28 =	simm.s32 $0x1;
	s4 =	sadd.s32 s3, s16;
	[dreg:$0x13] =	wrdreg s26  }
0x10: {  	s29 =	simm.s32 $0x800;
	s7 =	sadd.s32 $0x4000, s15;
	[dreg:$0x8] =	wrdreg s4  }
0x11: {  	s30 =	simm.s32 $0x10000;
	s17 =	sadd.s32 $0x8000, s15;
	[dreg:$0x6] =	wrdreg s7  }
0x12: {  	s8 =	simm.s32 $0x6;
	s18 =	sadd.s32 $0xC000, s15;
	[dreg:$0x7] =	wrdreg s17  }
0x13: {  	s6 =	sshrl.u32 s12, $0x1;
	s19 =	sadd.s32 $0x10000, s4;
	[dreg:$0x9] =	wrdreg s18  }
0x14: {  	s13 =	ssub.s32 s12, s6;
	s20 =	sadd.s32 $0x10000, s15;
	[dreg:$0xa] =	wrdreg s19  }
0x15: {  	s21 =	sadd.s32 $0x20000, s4;
	s6 =	sadd.s32 $0x14000, s15;
	[dreg:$0xb] =	wrdreg s20  }
0x16: {  	s31 =	sadd.s32 $0x180000, s4;
	s0 =	smax.u32 s13, $0x1;
	[dreg:$0xc] =	wrdreg s21  }
0x17: {  	s15 =	simm.s32 $0x1000;
	s23 =	simm.s32 $0x3;
	[dreg:$0xd] =	wrdreg s6  }
0x18: {  	s25 =	simm.s32 $0x4;
	s4 =	simm.s32 $0x0;
	[dreg:$0x14] =	wrdreg s31  }
0x19: {  	[dreg:$0x15] =	wrdreg s0;
	s0 =	simm.s32 $0x2;
	s7 =	simm.s32 $0x5  }
.LBB2_1:
0x1a: {  	[dreg:$0x16] =	wrdreg s4;
	s9 =	simm.s32 $0x0  }
0x1b: {  	s2 =	rddreg [dreg:$0x4];
	s5 =	simm.s32 $0xF000;
	s10 =	simm.s32 $0x7  }
0x1c: {  	[tilespmem:s5], [sflag:$0x7] =	stream.linear.gather [hbm4b:s2+s9], $0x80, $0x38;
	[tilespmem:$0xF080] =	vst v63  }
0x1d: {  	_ =	swait.ge [sflag:s10], $0x80  }
0x1e: {  	[sflag:s10] =	ssyncset.done $0x0  }
0x1f: {  	[sflag:s10] =	ssyncadd.s32 $0xFFFFFF80  }
0x20: {  	v0 =	vld [tilespmem:$0xF000]  }
0x21: {  	v1 =	vld [tilespmem:$0xF010]  }
0x22: {  	v2 =	vld [tilespmem:$0xF020]  }
0x23: {  	v3 =	vld [tilespmem:$0xF030]  }
0x24: {  	v4 =	vld [tilespmem:$0xF040]  }
0x25: {  	v5 =	vld [tilespmem:$0xF050]  }
0x26: {  	s11 =	rddreg [dreg:$0x5];
	v6 =	vld [tilespmem:$0xF060]  }
0x27: {  	v7 =	vld [tilespmem:$0xF070];
	[tilespmem:s9], [sflag:$0x1] =	stream.linear.gather [hbm4b:s11+s9], $0x1000, $0x38  }
0x28: {  	s12 =	rddreg [dreg:$0x6]  }
0x29: {  	[tilespmem:s15], [sflag:$0x2] =	stream.linear.gather [hbm4b:s12+s9], $0x1000, $0x38;
	[tilespmem:$0xF080] =	vst v63  }
0x2a: {  	s14 =	simm.s32 $0x2000;
	s13 =	rddreg [dreg:$0x7]  }
0x2b: {  	[tilespmem:s14], [sflag:$0x3] =	stream.linear.gather [hbm4b:s13+s9], $0x1000, $0x38;
	[tilespmem:$0xF080] =	vst v63  }
0x2c: {  	_ =	swait.ge [sflag:s28], $0x1000  }
0x2d: {  	[sflag:s28] =	ssyncset.done $0x0  }
0x2e: {  	s16 =	simm.s32 $0x20;
	[sflag:s28] =	ssyncadd.s32 $0xFFFFF000  }
0x2f: {  	v8 =	vld [tilespmem:s16+$0x10];
	_ =	sdelay $0x2  }
0x30: {  	s17 =	simm.s32 $0x0;
	s4 =	sand.u32 $0x3800, s9  }
0x31: {  	s6 =	sand.u32 $0x600, s17;
	s4 =	sadd.s32 $0x3000, s4;
	s11 =	simm.s32 $0x30;
	v9 =	vld [tilespmem:s16+$0xFFFFFFE0]  }
0x32: {  	s6 =	sor.u32 s6, s4;
	s9 =	sand.u32 $0x70, s11;
	vm0 =	veq.s32 v8, $0x0  }
0x33: {  	s5 =	sor.u32 $0x180, s17;
	s10 =	sor.u32 $0x80, s6;
	s12 =	sor.u32 s9, s6;
	v8 =	vld [tilespmem:s16+$0xFFFFFFF0];
	v10 =	vsel vm0, v0, v4  }
0x34: {  	s5 =	sand.u32 $0xFFFFFF80, s5;
	s13 =	sor.u32 $0x100, s6;
	s18 =	sor.u32 s9, s10;
	v11 =	vld [tilespmem:s16+$0x0];
	[tilespmem:s12+$0x0] =	vst v10;
	v10 =	vsel vm0, v1, v5  }
0x35: {  	s19 =	simm.s32 $0x0;
	s4 =	sadd.s32 s5, s4;
	s20 =	sor.u32 s9, s13;
	[tilespmem:s18+$0x0] =	vst v10;
	v10 =	vsel vm0, v2, v6  }
0x36: {  	s24 =	simm.s32 $0x10;
	s21 =	sand.u32 $0x40, s19;
	s22 =	sor.u32 s9, s4;
	vm1 =	veq.s32 v9, $0x0;
	v9 =	vsel vm0, v3, v7;
	[tilespmem:s20+$0x0] =	vst v10  }
0x37: {  	s26 =	simm.s32 $0x20;
	s5 =	sand.u32 $0x50, s24;
	s14 =	sor.u32 s21, s10;
	v10 =	vsel vm1, v1, v5;
	[tilespmem:s22+$0x0] =	vst v9  }
0x38: {  	s24 =	sor.u32 s5, s10;
	s9 =	sand.u32 $0x60, s26;
	s31 =	sor.u32 s21, s13;
	vm15 =	veq.s32 v8, $0x0;
	v8 =	vsel vm1, v2, v6;
	[tilespmem:s14+$0x0] =	vst v10  }
0x39: {  	s26 =	sor.u32 s21, s4;
	s2 =	sor.u32 s5, s13;
	vm2 =	veq.s32 v11, $0x0;
	s12 =	simm.s32 $0x0;
	v10 =	vsel vm15, v1, v5;
	[tilespmem:s31+$0x0] =	vst v8  }
0x3a: {  	v12 =	vsel vm1, v0, v4;
	v15 =	vsel vm1, v3, v7;
	v11 =	vsel vm2, v2, v6;
	s22 =	sor.u32 s5, s4;
	s14 =	sor.u32 s9, s10;
	s31 =	sor.u32 s21, s6;
	[tilespmem:s24+$0x0] =	vst v10  }
0x3b: {  	s10 =	sor.u32 s9, s4;
	v9 =	vsel vm15, v0, v4;
	v13 =	vsel vm15, v2, v6;
	v14 =	vsel vm15, v3, v7;
	s21 =	sor.u32 s9, s13;
	s13 =	simm.s32 $0x0;
	[tilespmem:s31+$0x0] =	vst v12  }
0x3c: {  	v8 =	vsel vm2, v3, v7;
	v10 =	vsel vm2, v0, v4;
	s24 =	sor.u32 s5, s6;
	v12 =	vsel vm2, v1, v5;
	s5 =	sor.u32 s9, s6;
	s9 =	simm.s32 $0x60;
	[tilespmem:s26+$0x0] =	vst v15  }
.LBB2_2:
0x3d: {  	v15 =	vld [tilespmem:s9+$0x10];
	[tilespmem:s24+$0x0] =	vst v9  }
0x3e: {  	v9 =	vld [tilespmem:s9+$0xFFFFFFE0];
	[tilespmem:s2+$0x0] =	vst v13  }
0x3f: {  	s12 =	sadd.s32 $0x4, s12;
	s13 =	sadd.s32 $0x400, s13;
	s11 =	sadd.s32 $0x40, s11;
	v13 =	vld [tilespmem:s9+$0xFFFFFFF0];
	[tilespmem:s22+$0x0] =	vst v14  }
0x40: {  	s2 =	sand.u32 $0x3800, s13;
	s4 =	sshll.u32 s12, $0x3;
	p0 =	slt.u32 s12, $0xFC;
	v14 =	vld [tilespmem:s9+$0x0];
	[tilespmem:s5+$0x0] =	vst v10  }
0x41: {  	s2 =	sadd.s32 $0x3000, s2;
	s5 =	sand.u32 $0x600, s4;
	s4 =	sor.u32 $0x180, s4;
	[tilespmem:s14+$0x0] =	vst v12  }
0x42: {  	s14 =	sadd.s32 $0xFFFFFFD0, s11;
	s6 =	sor.u32 s5, s2;
	s5 =	sand.u32 $0x70, s11;
	vm2 =	veq.s32 v15, $0x0;
	[tilespmem:s21+$0x0] =	vst v11  }
0x43: {  	s4 =	sand.u32 $0xFFFFFF80, s4;
	s21 =	sor.u32 $0x80, s6;
	s22 =	sor.u32 s5, s6;
	vm3 =	veq.s32 v9, $0x0;
	v9 =	vsel vm2, v0, v4;
	[tilespmem:s10+$0x0] =	vst v8  }
0x44: {  	s4 =	sadd.s32 s4, s2;
	s10 =	sor.u32 $0x100, s6;
	v8 =	vsel vm2, v1, v5;
	v15 =	vsel vm3, v0, v4;
	vm1 =	veq.s32 v13, $0x0;
	[tilespmem:s22+$0x0] =	vst v9;
	s22 =	sor.u32 s5, s21  }
0x45: {  	s2 =	sadd.s32 $0xFFFFFFE0, s11;
	s24 =	sand.u32 $0x40, s14;
	v10 =	vsel vm3, v1, v5;
	vm0 =	veq.s32 v14, $0x0;
	[tilespmem:s22+$0x0] =	vst v8;
	v8 =	vsel vm2, v2, v6;
	s22 =	sor.u32 s5, s10  }
0x46: {  	s14 =	sadd.s32 $0xFFFFFFF0, s11;
	s26 =	sand.u32 $0x50, s2;
	v11 =	vsel vm3, v2, v6;
	v16 =	vsel vm3, v3, v7;
	s5 =	sor.u32 s5, s4;
	[tilespmem:s22+$0x0] =	vst v8;
	v8 =	vsel vm2, v3, v7  }
0x47: {  	s31 =	sand.u32 $0x60, s14;
	s20 =	sor.u32 s24, s4;
	v9 =	vsel vm1, v0, v4;
	v17 =	vsel vm1, v1, v5;
	v13 =	vsel vm1, v2, v6;
	s22 =	sor.u32 s24, s21;
	[tilespmem:s5+$0x0] =	vst v8  }
.Ltmp0:
0x48: {  	s2 =	sor.u32 s24, s10;
	v14 =	vsel vm1, v3, v7;
	v12 =	vsel vm0, v1, v5;
	s5 =	sor.u32 s26, s21;
	[tilespmem:s22+$0x0] =	vst v10;
	v10 =	vsel vm0, v0, v4;
	(pc) =	sbr.rel @p0 .LBB2_2-.Ltmp0, $4  }
0x49: {  	s14 =	sor.u32 s31, s21;
	v8 =	vsel vm0, v3, v7;
	s22 =	sor.u32 s26, s4;
	[tilespmem:s2+$0x0] =	vst v11;
	s2 =	sor.u32 s26, s10;
	v11 =	vsel vm0, v2, v6  }
0x4a: {  	s24 =	sor.u32 s24, s6;
	s21 =	sor.u32 s31, s10;
	s10 =	sor.u32 s31, s4;
	[tilespmem:s5+$0x0] =	vst v17  }
0x4b: {  	s5 =	sor.u32 s31, s6;
	[tilespmem:s24+$0x0] =	vst v15;
	s24 =	sor.u32 s26, s6  }
0x4c: {  	s9 =	sadd.s32 $0x40, s9;
	[tilespmem:s20+$0x0] =	vst v16  }
0x4d: {  	[tilespmem:s24+$0x0] =	vst v9  }
0x4e: {  	[tilespmem:s5+$0x0] =	vst v10  }
0x4f: {  	[tilespmem:s2+$0x0] =	vst v13  }
0x50: {  	[tilespmem:s14+$0x0] =	vst v12  }
0x51: {  	[tilespmem:s22+$0x0] =	vst v14  }
0x52: {  	[tilespmem:s21+$0x0] =	vst v11  }
0x53: {  	[tilespmem:s10+$0x0] =	vst v8  }
0x54: {  	s4 =	simm.s32 $0x3000;
	s2 =	rddreg [dreg:$0x8]  }
0x55: {  	[hbm4b:s2+s29] =	stream.strided.scatter [tilespmem:s4], [sflag:$0x4], $0x4000, s30, s29, $0x38;
	[tilespmem:$0xF080] =	vst v63  }
0x56: {  	s11 =	simm.s32 $0x0;
	s26 =	rddreg [dreg:$0x9]  }
0x57: {  	[tilespmem:s11], [sflag:$0x1] =	stream.linear.gather [hbm4b:s26+s11], $0x1000, $0x38;
	[tilespmem:$0xF080] =	vst v63  }
0x58: {  	_ =	swait.ge [sflag:s0], $0x1000  }
0x59: {  	[sflag:s0] =	ssyncset.done $0x0  }
0x5a: {  	s31 =	simm.s32 $0x1020;
	[sflag:s0] =	ssyncadd.s32 $0xFFFFF000  }
0x5b: {  	v8 =	vld [tilespmem:s31+$0x10];
	_ =	sdelay $0x2  }
0x5c: {  	s13 =	simm.s32 $0x0;
	s10 =	sand.u32 $0x3800, s11  }
0x5d: {  	s12 =	simm.s32 $0x30;
	s6 =	sand.u32 $0x600, s13;
	s4 =	sadd.s32 $0x7000, s10;
	v9 =	vld [tilespmem:s31+$0xFFFFFFE0]  }
0x5e: {  	s9 =	sand.u32 $0x70, s12;
	s6 =	sor.u32 s6, s4;
	vm0 =	veq.s32 v8, $0x0  }
0x5f: {  	s5 =	sor.u32 $0x180, s13;
	s14 =	sor.u32 $0x80, s6;
	s13 =	sor.u32 s9, s6;
	v8 =	vld [tilespmem:s31+$0xFFFFFFF0];
	v10 =	vsel vm0, v0, v4  }
0x60: {  	s5 =	sand.u32 $0xFFFFFF80, s5;
	s22 =	sor.u32 $0x100, s6;
	s24 =	sor.u32 s9, s14;
	v11 =	vld [tilespmem:s31+$0x0];
	[tilespmem:s13+$0x0] =	vst v10;
	v10 =	vsel vm0, v1, v5  }
0x61: {  	s4 =	sadd.s32 s5, s4;
	s26 =	simm.s32 $0x0;
	s31 =	sor.u32 s9, s22;
	[tilespmem:s24+$0x0] =	vst v10;
	v10 =	vsel vm0, v2, v6  }
0x62: {  	s16 =	simm.s32 $0x10;
	s20 =	sand.u32 $0x40, s26;
	vm1 =	veq.s32 v9, $0x0;
	s9 =	sor.u32 s9, s4;
	v9 =	vsel vm0, v3, v7;
	[tilespmem:s31+$0x0] =	vst v10  }
0x63: {  	s19 =	sand.u32 $0x50, s16;
	s17 =	sor.u32 s20, s14;
	v10 =	vsel vm1, v1, v5;
	[tilespmem:s9+$0x0] =	vst v9  }
0x64: {  	s18 =	simm.s32 $0x20;
	s2 =	sor.u32 s19, s4;
	s21 =	sor.u32 s20, s22;
	vm15 =	veq.s32 v8, $0x0;
	v8 =	vsel vm1, v2, v6;
	[tilespmem:s17+$0x0] =	vst v10  }
0x65: {  	s5 =	sor.u32 s19, s22;
	s26 =	sor.u32 s20, s4;
	vm2 =	veq.s32 v11, $0x0;
	s31 =	sor.u32 s19, s14;
	v10 =	vsel vm15, v1, v5;
	[tilespmem:s21+$0x0] =	vst v8  }
0x66: {  	s20 =	sor.u32 s20, s6;
	v12 =	vsel vm1, v0, v4;
	v15 =	vsel vm1, v3, v7;
	v11 =	vsel vm2, v2, v6;
	s13 =	simm.s32 $0x0;
	s24 =	sand.u32 $0x60, s18;
	[tilespmem:s31+$0x0] =	vst v10  }
0x67: {  	s10 =	sor.u32 s24, s4;
	s9 =	simm.s32 $0x1060;
	v9 =	vsel vm15, v0, v4;
	v13 =	vsel vm15, v2, v6;
	v14 =	vsel vm15, v3, v7;
	s21 =	sor.u32 s24, s14;
	[tilespmem:s20+$0x0] =	vst v12  }
0x68: {  	s14 =	sor.u32 s24, s22;
	v8 =	vsel vm2, v3, v7;
	s22 =	sor.u32 s19, s6;
	s6 =	sor.u32 s24, s6;
	v10 =	vsel vm2, v0, v4;
	v12 =	vsel vm2, v1, v5;
	[tilespmem:s26+$0x0] =	vst v15  }
.LBB2_4:
0x69: {  	v15 =	vld [tilespmem:s9+$0x10];
	[tilespmem:s22+$0x0] =	vst v9  }
0x6a: {  	v9 =	vld [tilespmem:s9+$0xFFFFFFE0];
	[tilespmem:s5+$0x0] =	vst v13  }
0x6b: {  	s13 =	sadd.s32 $0x4, s13;
	s11 =	sadd.s32 $0x400, s11;
	s12 =	sadd.s32 $0x40, s12;
	v13 =	vld [tilespmem:s9+$0xFFFFFFF0];
	[tilespmem:s2+$0x0] =	vst v14  }
0x6c: {  	s4 =	sshll.u32 s13, $0x3;
	p0 =	slt.u32 s13, $0xFC;
	s2 =	sand.u32 $0x3800, s11;
	v14 =	vld [tilespmem:s9+$0x0];
	[tilespmem:s6+$0x0] =	vst v10  }
0x6d: {  	s20 =	sadd.s32 $0xFFFFFFD0, s12;
	s5 =	sand.u32 $0x600, s4;
	s2 =	sadd.s32 $0x7000, s2;
	[tilespmem:s21+$0x0] =	vst v12  }
0x6e: {  	s22 =	sadd.s32 $0xFFFFFFF0, s12;
	s6 =	sor.u32 s5, s2;
	s5 =	sand.u32 $0x70, s12;
	vm2 =	veq.s32 v15, $0x0;
	[tilespmem:s14+$0x0] =	vst v11  }
0x6f: {  	s4 =	sor.u32 $0x180, s4;
	s14 =	sor.u32 $0x80, s6;
	s21 =	sor.u32 s5, s6;
	vm3 =	veq.s32 v9, $0x0;
	v9 =	vsel vm2, v0, v4;
	[tilespmem:s10+$0x0] =	vst v8  }
0x70: {  	s4 =	sand.u32 $0xFFFFFF80, s4;
	s10 =	sor.u32 $0x100, s6;
	v8 =	vsel vm2, v1, v5;
	v15 =	vsel vm3, v0, v4;
	vm1 =	veq.s32 v13, $0x0;
	[tilespmem:s21+$0x0] =	vst v9;
	s21 =	sor.u32 s5, s14  }
0x71: {  	s4 =	sadd.s32 s4, s2;
	s2 =	sadd.s32 $0xFFFFFFE0, s12;
	v10 =	vsel vm3, v1, v5;
	vm0 =	veq.s32 v14, $0x0;
	[tilespmem:s21+$0x0] =	vst v8;
	v8 =	vsel vm2, v2, v6;
	s21 =	sor.u32 s5, s10  }
0x72: {  	s20 =	sand.u32 $0x40, s20;
	s26 =	sand.u32 $0x60, s22;
	v11 =	vsel vm3, v2, v6;
	v16 =	vsel vm3, v3, v7;
	s5 =	sor.u32 s5, s4;
	[tilespmem:s21+$0x0] =	vst v8;
	v8 =	vsel vm2, v3, v7  }
0x73: {  	s24 =	sand.u32 $0x50, s2;
	s31 =	sor.u32 s20, s4;
	v9 =	vsel vm1, v0, v4;
	v17 =	vsel vm1, v1, v5;
	v13 =	vsel vm1, v2, v6;
	s21 =	sor.u32 s20, s14;
	[tilespmem:s5+$0x0] =	vst v8  }
.Ltmp1:
0x74: {  	s22 =	sor.u32 s24, s14;
	s2 =	sor.u32 s20, s10;
	v14 =	vsel vm1, v3, v7;
	v12 =	vsel vm0, v1, v5;
	[tilespmem:s21+$0x0] =	vst v10;
	v10 =	vsel vm0, v0, v4;
	(pc) =	sbr.rel @p0 .LBB2_4-.Ltmp1, $4  }
0x75: {  	s5 =	sor.u32 s24, s10;
	v8 =	vsel vm0, v3, v7;
	s21 =	sor.u32 s26, s14;
	[tilespmem:s2+$0x0] =	vst v11;
	s2 =	sor.u32 s24, s4;
	v11 =	vsel vm0, v2, v6  }
0x76: {  	s20 =	sor.u32 s20, s6;
	s14 =	sor.u32 s26, s10;
	s10 =	sor.u32 s26, s4;
	[tilespmem:s22+$0x0] =	vst v17  }
0x77: {  	s22 =	sor.u32 s24, s6;
	s6 =	sor.u32 s26, s6;
	[tilespmem:s20+$0x0] =	vst v15  }
0x78: {  	s9 =	sadd.s32 $0x40, s9;
	[tilespmem:s31+$0x0] =	vst v16  }
0x79: {  	[tilespmem:s22+$0x0] =	vst v9  }
0x7a: {  	[tilespmem:s6+$0x0] =	vst v10  }
0x7b: {  	[tilespmem:s5+$0x0] =	vst v13  }
0x7c: {  	[tilespmem:s21+$0x0] =	vst v12  }
0x7d: {  	[tilespmem:s2+$0x0] =	vst v14  }
0x7e: {  	[tilespmem:s14+$0x0] =	vst v11  }
0x7f: {  	[tilespmem:s10+$0x0] =	vst v8  }
0x80: {  	s4 =	simm.s32 $0x7000;
	s2 =	rddreg [dreg:$0xa]  }
0x81: {  	[hbm4b:s2+s29] =	stream.strided.scatter [tilespmem:s4], [sflag:$0x5], $0x4000, s30, s29, $0x38;
	[tilespmem:$0xF080] =	vst v63  }
0x82: {  	s11 =	simm.s32 $0x0;
	s26 =	rddreg [dreg:$0xb]  }
0x83: {  	[tilespmem:s15], [sflag:$0x2] =	stream.linear.gather [hbm4b:s26+s11], $0x1000, $0x38;
	[tilespmem:$0xF080] =	vst v63  }
0x84: {  	_ =	swait.ge [sflag:s23], $0x1000  }
0x85: {  	[sflag:s23] =	ssyncset.done $0x0  }
0x86: {  	s31 =	simm.s32 $0x2020;
	[sflag:s23] =	ssyncadd.s32 $0xFFFFF000  }
0x87: {  	v8 =	vld [tilespmem:s31+$0x10];
	_ =	sdelay $0x2  }
0x88: {  	s9 =	sand.u32 $0x3800, s11;
	s10 =	simm.s32 $0x0  }
0x89: {  	s12 =	simm.s32 $0x30;
	s13 =	sand.u32 $0x600, s10;
	s4 =	sadd.s32 $0xB000, s9;
	v9 =	vld [tilespmem:s31+$0xFFFFFFE0]  }
0x8a: {  	s9 =	sand.u32 $0x70, s12;
	s6 =	sor.u32 s13, s4;
	vm0 =	veq.s32 v8, $0x0  }
0x8b: {  	s5 =	sor.u32 $0x180, s10;
	s14 =	sor.u32 $0x80, s6;
	s13 =	sor.u32 s9, s6;
	v8 =	vld [tilespmem:s31+$0xFFFFFFF0];
	v10 =	vsel vm0, v0, v4  }
0x8c: {  	s5 =	sand.u32 $0xFFFFFF80, s5;
	s22 =	sor.u32 $0x100, s6;
	s26 =	sor.u32 s9, s14;
	v11 =	vld [tilespmem:s31+$0x0];
	[tilespmem:s13+$0x0] =	vst v10;
	v10 =	vsel vm0, v1, v5  }
0x8d: {  	s4 =	sadd.s32 s5, s4;
	s31 =	simm.s32 $0x0;
	s13 =	sor.u32 s9, s22;
	[tilespmem:s26+$0x0] =	vst v10;
	v10 =	vsel vm0, v2, v6  }
0x8e: {  	s16 =	simm.s32 $0x10;
	s15 =	sor.u32 s9, s4;
	vm1 =	veq.s32 v9, $0x0;
	s20 =	sand.u32 $0x40, s31;
	v9 =	vsel vm0, v3, v7;
	[tilespmem:s13+$0x0] =	vst v10  }
0x8f: {  	s19 =	sand.u32 $0x50, s16;
	s17 =	sor.u32 s20, s14;
	v10 =	vsel vm1, v1, v5;
	[tilespmem:s15+$0x0] =	vst v9  }
0x90: {  	s18 =	simm.s32 $0x20;
	s2 =	sor.u32 s19, s4;
	s21 =	sor.u32 s20, s22;
	vm15 =	veq.s32 v8, $0x0;
	v8 =	vsel vm1, v2, v6;
	[tilespmem:s17+$0x0] =	vst v10  }
0x91: {  	s5 =	sor.u32 s19, s22;
	vm2 =	veq.s32 v11, $0x0;
	s31 =	sor.u32 s19, s14;
	s24 =	sor.u32 s20, s4;
	v10 =	vsel vm15, v1, v5;
	[tilespmem:s21+$0x0] =	vst v8  }
0x92: {  	v12 =	vsel vm1, v0, v4;
	v15 =	vsel vm1, v3, v7;
	v11 =	vsel vm2, v2, v6;
	s20 =	sor.u32 s20, s6;
	s9 =	simm.s32 $0x2060;
	s26 =	sand.u32 $0x60, s18;
	[tilespmem:s31+$0x0] =	vst v10  }
0x93: {  	s13 =	simm.s32 $0x0;
	s10 =	sor.u32 s26, s4;
	v9 =	vsel vm15, v0, v4;
	v13 =	vsel vm15, v2, v6;
	v14 =	vsel vm15, v3, v7;
	s21 =	sor.u32 s26, s14;
	[tilespmem:s20+$0x0] =	vst v12  }
0x94: {  	s14 =	sor.u32 s26, s22;
	v8 =	vsel vm2, v3, v7;
	s22 =	sor.u32 s19, s6;
	s6 =	sor.u32 s26, s6;
	v10 =	vsel vm2, v0, v4;
	v12 =	vsel vm2, v1, v5;
	[tilespmem:s24+$0x0] =	vst v15  }
.LBB2_6:
0x95: {  	v15 =	vld [tilespmem:s9+$0x10];
	[tilespmem:s22+$0x0] =	vst v9  }
0x96: {  	v9 =	vld [tilespmem:s9+$0xFFFFFFE0];
	[tilespmem:s5+$0x0] =	vst v13  }
0x97: {  	s13 =	sadd.s32 $0x4, s13;
	s11 =	sadd.s32 $0x400, s11;
	s12 =	sadd.s32 $0x40, s12;
	v13 =	vld [tilespmem:s9+$0xFFFFFFF0];
	[tilespmem:s2+$0x0] =	vst v14  }
0x98: {  	s4 =	sshll.u32 s13, $0x3;
	p0 =	slt.u32 s13, $0xFC;
	s2 =	sand.u32 $0x3800, s11;
	v14 =	vld [tilespmem:s9+$0x0];
	[tilespmem:s6+$0x0] =	vst v10  }
0x99: {  	s20 =	sadd.s32 $0xFFFFFFD0, s12;
	s5 =	sand.u32 $0x600, s4;
	s2 =	sadd.s32 $0xB000, s2;
	[tilespmem:s21+$0x0] =	vst v12  }
0x9a: {  	s22 =	sadd.s32 $0xFFFFFFF0, s12;
	s6 =	sor.u32 s5, s2;
	s5 =	sand.u32 $0x70, s12;
	vm2 =	veq.s32 v15, $0x0;
	[tilespmem:s14+$0x0] =	vst v11  }
0x9b: {  	s4 =	sor.u32 $0x180, s4;
	s14 =	sor.u32 $0x80, s6;
	s21 =	sor.u32 s5, s6;
	vm3 =	veq.s32 v9, $0x0;
	v9 =	vsel vm2, v0, v4;
	[tilespmem:s10+$0x0] =	vst v8  }
0x9c: {  	s4 =	sand.u32 $0xFFFFFF80, s4;
	s10 =	sor.u32 $0x100, s6;
	v8 =	vsel vm2, v1, v5;
	v15 =	vsel vm3, v0, v4;
	vm1 =	veq.s32 v13, $0x0;
	[tilespmem:s21+$0x0] =	vst v9;
	s21 =	sor.u32 s5, s14  }
0x9d: {  	s4 =	sadd.s32 s4, s2;
	s2 =	sadd.s32 $0xFFFFFFE0, s12;
	v10 =	vsel vm3, v1, v5;
	vm0 =	veq.s32 v14, $0x0;
	[tilespmem:s21+$0x0] =	vst v8;
	v8 =	vsel vm2, v2, v6;
	s21 =	sor.u32 s5, s10  }
0x9e: {  	s20 =	sand.u32 $0x40, s20;
	s26 =	sand.u32 $0x60, s22;
	v11 =	vsel vm3, v2, v6;
	v16 =	vsel vm3, v3, v7;
	s5 =	sor.u32 s5, s4;
	[tilespmem:s21+$0x0] =	vst v8;
	v8 =	vsel vm2, v3, v7  }
0x9f: {  	s24 =	sand.u32 $0x50, s2;
	s31 =	sor.u32 s20, s4;
	v9 =	vsel vm1, v0, v4;
	v17 =	vsel vm1, v1, v5;
	v13 =	vsel vm1, v2, v6;
	s21 =	sor.u32 s20, s14;
	[tilespmem:s5+$0x0] =	vst v8  }
.Ltmp2:
0xa0: {  	s22 =	sor.u32 s24, s14;
	s2 =	sor.u32 s20, s10;
	v14 =	vsel vm1, v3, v7;
	v12 =	vsel vm0, v1, v5;
	[tilespmem:s21+$0x0] =	vst v10;
	v10 =	vsel vm0, v0, v4;
	(pc) =	sbr.rel @p0 .LBB2_6-.Ltmp2, $4  }
0xa1: {  	s5 =	sor.u32 s24, s10;
	v8 =	vsel vm0, v3, v7;
	s21 =	sor.u32 s26, s14;
	[tilespmem:s2+$0x0] =	vst v11;
	s2 =	sor.u32 s24, s4;
	v11 =	vsel vm0, v2, v6  }
0xa2: {  	s20 =	sor.u32 s20, s6;
	s14 =	sor.u32 s26, s10;
	s10 =	sor.u32 s26, s4;
	[tilespmem:s22+$0x0] =	vst v17  }
0xa3: {  	s22 =	sor.u32 s24, s6;
	s6 =	sor.u32 s26, s6;
	[tilespmem:s20+$0x0] =	vst v15  }
0xa4: {  	s9 =	sadd.s32 $0x40, s9;
	[tilespmem:s31+$0x0] =	vst v16  }
0xa5: {  	[tilespmem:s22+$0x0] =	vst v9  }
0xa6: {  	[tilespmem:s6+$0x0] =	vst v10  }
0xa7: {  	[tilespmem:s5+$0x0] =	vst v13  }
0xa8: {  	[tilespmem:s21+$0x0] =	vst v12  }
0xa9: {  	[tilespmem:s2+$0x0] =	vst v14  }
0xaa: {  	[tilespmem:s14+$0x0] =	vst v11  }
0xab: {  	[tilespmem:s10+$0x0] =	vst v8  }
0xac: {  	s4 =	simm.s32 $0xB000;
	s11 =	simm.s32 $0x0;
	s2 =	rddreg [dreg:$0xc]  }
0xad: {  	[hbm4b:s2+s29] =	stream.strided.scatter [tilespmem:s4], [sflag:$0x6], $0x4000, s30, s29, $0x38;
	[tilespmem:$0xF080] =	vst v63  }
0xae: {  	s31 =	simm.s32 $0x2000;
	s12 =	simm.s32 $0x0;
	s26 =	rddreg [dreg:$0xd]  }
0xaf: {  	[tilespmem:s31], [sflag:$0x3] =	stream.linear.gather [hbm4b:s26+s11], $0x1000, $0x38;
	[tilespmem:$0xF080] =	vst v63  }
.LBB2_8:
0xb0: {  	_ =	swait.ge [sflag:s28], $0x1000  }
0xb1: {  	[sflag:s28] =	ssyncset.done $0x0  }
0xb2: {  	[sflag:s28] =	ssyncadd.s32 $0xFFFFF000  }
0xb3: {  	_ =	swait.ge [sflag:s25], $0x4000  }
0xb4: {  	[sflag:s25] =	ssyncset.done $0x0  }
0xb5: {  	s2 =	simm.s32 $0x20;
	[sflag:s25] =	ssyncadd.s32 $0xFFFFC000  }
0xb6: {  	v8 =	vld [tilespmem:s2+$0x10];
	_ =	sdelay $0x2  }
0xb7: {  	s4 =	sand.u32 $0x3800, s11;
	s5 =	simm.s32 $0x0  }
0xb8: {  	s13 =	simm.s32 $0x30;
	s4 =	sadd.s32 $0x3000, s4;
	s6 =	sand.u32 $0x600, s5;
	v9 =	vld [tilespmem:s2+$0xFFFFFFE0]  }
0xb9: {  	s9 =	sand.u32 $0x70, s13;
	s6 =	sor.u32 s6, s4;
	vm0 =	veq.s32 v8, $0x0  }
0xba: {  	s5 =	sor.u32 $0x180, s5;
	s10 =	sor.u32 $0x80, s6;
	s14 =	sor.u32 s9, s6;
	v8 =	vld [tilespmem:s2+$0xFFFFFFF0];
	v10 =	vsel vm0, v0, v4  }
0xbb: {  	s5 =	sand.u32 $0xFFFFFF80, s5;
	s20 =	sor.u32 $0x100, s6;
	s26 =	sor.u32 s9, s10;
	v11 =	vld [tilespmem:s2+$0x0];
	[tilespmem:s14+$0x0] =	vst v10;
	v10 =	vsel vm0, v1, v5  }
0xbc: {  	s15 =	simm.s32 $0x0;
	s4 =	sadd.s32 s5, s4;
	s16 =	sor.u32 s9, s20;
	[tilespmem:s26+$0x0] =	vst v10;
	v10 =	vsel vm0, v2, v6  }
0xbd: {  	s18 =	simm.s32 $0x10;
	s21 =	sand.u32 $0x40, s15;
	s17 =	sor.u32 s9, s4;
	vm1 =	veq.s32 v9, $0x0;
	v9 =	vsel vm0, v3, v7;
	[tilespmem:s16+$0x0] =	vst v10  }
0xbe: {  	s19 =	simm.s32 $0x20;
	s5 =	sand.u32 $0x50, s18;
	s22 =	sor.u32 s21, s10;
	v10 =	vsel vm1, v1, v5;
	[tilespmem:s17+$0x0] =	vst v9  }
0xbf: {  	s9 =	sand.u32 $0x60, s19;
	s15 =	sor.u32 s21, s4;
	vm15 =	veq.s32 v8, $0x0;
	v8 =	vsel vm1, v2, v6;
	[tilespmem:s22+$0x0] =	vst v10;
	s22 =	sor.u32 s21, s20  }
0xc0: {  	s24 =	sor.u32 s5, s10;
	s31 =	sor.u32 s5, s6;
	s10 =	sor.u32 s9, s10;
	vm2 =	veq.s32 v11, $0x0;
	v12 =	vsel vm15, v1, v5;
	[tilespmem:s22+$0x0] =	vst v8  }
0xc1: {  	s2 =	sor.u32 s5, s20;
	v15 =	vsel vm1, v3, v7;
	v11 =	vsel vm2, v0, v4;
	s14 =	simm.s32 $0x0;
	v10 =	vsel vm1, v0, v4;
	s21 =	sor.u32 s21, s6;
	[tilespmem:s24+$0x0] =	vst v12  }
0xc2: {  	s26 =	sor.u32 s5, s4;
	s5 =	sor.u32 s9, s6;
	v9 =	vsel vm15, v0, v4;
	v13 =	vsel vm15, v2, v6;
	v14 =	vsel vm15, v3, v7;
	s22 =	sor.u32 s9, s4;
	[tilespmem:s21+$0x0] =	vst v10  }
0xc3: {  	v8 =	vsel vm2, v3, v7;
	s24 =	sor.u32 s9, s20;
	v12 =	vsel vm2, v1, v5;
	v10 =	vsel vm2, v2, v6;
	s9 =	simm.s32 $0x60;
	s21 =	simm.s32 $0x0;
	[tilespmem:s15+$0x0] =	vst v15  }
.LBB2_9:
0xc4: {  	v15 =	vld [tilespmem:s9+$0x10];
	[tilespmem:s31+$0x0] =	vst v9  }
0xc5: {  	v9 =	vld [tilespmem:s9+$0xFFFFFFE0];
	[tilespmem:s2+$0x0] =	vst v13  }
0xc6: {  	s14 =	sadd.s32 $0x4, s14;
	s21 =	sadd.s32 $0x400, s21;
	s13 =	sadd.s32 $0x40, s13;
	v13 =	vld [tilespmem:s9+$0xFFFFFFF0];
	[tilespmem:s26+$0x0] =	vst v14  }
0xc7: {  	s2 =	sand.u32 $0x3800, s21;
	s4 =	sshll.u32 s14, $0x3;
	p0 =	slt.u32 s14, $0xFC;
	v14 =	vld [tilespmem:s9+$0x0];
	[tilespmem:s5+$0x0] =	vst v11  }
0xc8: {  	s2 =	sadd.s32 $0x3000, s2;
	s5 =	sand.u32 $0x600, s4;
	s4 =	sor.u32 $0x180, s4;
	[tilespmem:s10+$0x0] =	vst v12  }
0xc9: {  	s10 =	sadd.s32 $0xFFFFFFD0, s13;
	s6 =	sor.u32 s5, s2;
	s5 =	sand.u32 $0x70, s13;
	vm2 =	veq.s32 v15, $0x0;
	[tilespmem:s24+$0x0] =	vst v10  }
0xca: {  	s4 =	sand.u32 $0xFFFFFF80, s4;
	s15 =	sor.u32 $0x80, s6;
	s20 =	sor.u32 s5, s6;
	vm3 =	veq.s32 v9, $0x0;
	v9 =	vsel vm2, v0, v4;
	[tilespmem:s22+$0x0] =	vst v8  }
0xcb: {  	s4 =	sadd.s32 s4, s2;
	s22 =	sor.u32 $0x100, s6;
	v8 =	vsel vm2, v1, v5;
	v15 =	vsel vm3, v0, v4;
	vm1 =	veq.s32 v13, $0x0;
	[tilespmem:s20+$0x0] =	vst v9;
	s20 =	sor.u32 s5, s15  }
0xcc: {  	s2 =	sadd.s32 $0xFFFFFFE0, s13;
	s24 =	sand.u32 $0x40, s10;
	v10 =	vsel vm3, v1, v5;
	vm0 =	veq.s32 v14, $0x0;
	[tilespmem:s20+$0x0] =	vst v8;
	v8 =	vsel vm2, v2, v6;
	s20 =	sor.u32 s5, s22  }
0xcd: {  	s10 =	sadd.s32 $0xFFFFFFF0, s13;
	s31 =	sand.u32 $0x50, s2;
	v16 =	vsel vm3, v2, v6;
	v17 =	vsel vm3, v3, v7;
	s5 =	sor.u32 s5, s4;
	[tilespmem:s20+$0x0] =	vst v8;
	v8 =	vsel vm2, v3, v7  }
0xce: {  	s16 =	sand.u32 $0x60, s10;
	s2 =	sor.u32 s24, s22;
	v9 =	vsel vm1, v0, v4;
	v18 =	vsel vm1, v1, v5;
	v13 =	vsel vm1, v2, v6;
	s20 =	sor.u32 s24, s15;
	[tilespmem:s5+$0x0] =	vst v8  }
.Ltmp3:
0xcf: {  	v14 =	vsel vm1, v3, v7;
	v11 =	vsel vm0, v0, v4;
	v12 =	vsel vm0, v1, v5;
	s5 =	sor.u32 s31, s15;
	[tilespmem:s20+$0x0] =	vst v10;
	s20 =	sor.u32 s24, s4;
	(pc) =	sbr.rel @p0 .LBB2_9-.Ltmp3, $4  }
0xd0: {  	s26 =	sor.u32 s31, s4;
	s10 =	sor.u32 s16, s15;
	v8 =	vsel vm0, v3, v7;
	v10 =	vsel vm0, v2, v6;
	[tilespmem:s2+$0x0] =	vst v16;
	s2 =	sor.u32 s31, s22  }
0xd1: {  	s15 =	sor.u32 s24, s6;
	s24 =	sor.u32 s16, s22;
	s22 =	sor.u32 s16, s4;
	[tilespmem:s5+$0x0] =	vst v18  }
0xd2: {  	s31 =	sor.u32 s31, s6;
	s5 =	sor.u32 s16, s6;
	[tilespmem:s15+$0x0] =	vst v15  }
0xd3: {  	s9 =	sadd.s32 $0x40, s9;
	[tilespmem:s20+$0x0] =	vst v17  }
0xd4: {  	[tilespmem:s31+$0x0] =	vst v9  }
0xd5: {  	[tilespmem:s5+$0x0] =	vst v11  }
0xd6: {  	[tilespmem:s2+$0x0] =	vst v13  }
0xd7: {  	[tilespmem:s10+$0x0] =	vst v12  }
0xd8: {  	s14 =	smul.u32 $0x180000, s12;
	[tilespmem:s26+$0x0] =	vst v14  }
0xd9: {  	s2 =	rddreg [dreg:$0xe]  }
0xda: {  	[tilespmem:s24+$0x0] =	vst v10;
	s2 =	sadd.s32 s2, s14  }
0xdb: {  	s13 =	smul.u32 $0x60000, s12;
	[tilespmem:s22+$0x0] =	vst v8;
	s2 =	sshrl.u32 s2, $0x3  }
0xdc: {  	s4 =	simm.s32 $0x3000;
	s17 =	rddreg [dreg:$0xf];
	s2 =	sadd.s32 s3, s2  }
0xdd: {  	[hbm4b:s2+s29] =	stream.strided.scatter [tilespmem:s4], [sflag:$0x4], $0x4000, s30, s29, $0x38;
	[tilespmem:$0xF080] =	vst v63  }
0xde: {  	s2 =	sadd.s32 s17, s13  }
0xdf: {  	s2 =	sshrl.u32 s2, $0x3  }
0xe0: {  	s21 =	simm.s32 $0x0;
	s2 =	sadd.s32 s1, s2  }
0xe1: {  	[tilespmem:s21], [sflag:$0x1] =	stream.linear.gather [hbm4b:s2+s21], $0x1000, $0x38;
	[tilespmem:$0xF080] =	vst v63  }
0xe2: {  	_ =	swait.ge [sflag:s0], $0x1000  }
0xe3: {  	[sflag:s0] =	ssyncset.done $0x0  }
0xe4: {  	[sflag:s0] =	ssyncadd.s32 $0xFFFFF000  }
0xe5: {  	_ =	swait.ge [sflag:s7], $0x4000  }
0xe6: {  	[sflag:s7] =	ssyncset.done $0x0  }
0xe7: {  	s18 =	simm.s32 $0x1020;
	[sflag:s7] =	ssyncadd.s32 $0xFFFFC000  }
0xe8: {  	v8 =	vld [tilespmem:s18+$0x10];
	_ =	sdelay $0x2  }
0xe9: {  	s20 =	simm.s32 $0x0;
	s19 =	sand.u32 $0x3800, s21  }
0xea: {  	s6 =	sand.u32 $0x600, s20;
	s22 =	simm.s32 $0x30;
	s4 =	sadd.s32 $0x7000, s19;
	v9 =	vld [tilespmem:s18+$0xFFFFFFE0]  }
0xeb: {  	s9 =	sand.u32 $0x70, s22;
	s6 =	sor.u32 s6, s4;
	vm0 =	veq.s32 v8, $0x0  }
0xec: {  	s5 =	sor.u32 $0x180, s20;
	s10 =	sor.u32 $0x80, s6;
	s15 =	sor.u32 s9, s6;
	v8 =	vld [tilespmem:s18+$0xFFFFFFF0];
	v10 =	vsel vm0, v0, v4  }
0xed: {  	s5 =	sand.u32 $0xFFFFFF80, s5;
	s16 =	sor.u32 $0x100, s6;
	s24 =	sor.u32 s9, s10;
	v11 =	vld [tilespmem:s18+$0x0];
	[tilespmem:s15+$0x0] =	vst v10;
	v10 =	vsel vm0, v1, v5  }
0xee: {  	s26 =	simm.s32 $0x0;
	s4 =	sadd.s32 s5, s4;
	s17 =	sor.u32 s9, s16;
	[tilespmem:s24+$0x0] =	vst v10;
	v10 =	vsel vm0, v2, v6  }
0xef: {  	s2 =	sand.u32 $0x40, s26;
	vm1 =	veq.s32 v9, $0x0;
	s18 =	sor.u32 s9, s4;
	v9 =	vsel vm0, v3, v7;
	[tilespmem:s17+$0x0] =	vst v10  }
0xf0: {  	s19 =	simm.s32 $0x10;
	s20 =	sor.u32 s2, s10;
	s26 =	sor.u32 s2, s16;
	v10 =	vsel vm1, v1, v5;
	[tilespmem:s18+$0x0] =	vst v9  }
0xf1: {  	s9 =	simm.s32 $0x0;
	s15 =	sand.u32 $0x50, s19;
	s19 =	sor.u32 s2, s6;
	vm15 =	veq.s32 v8, $0x0;
	v8 =	vsel vm1, v2, v6;
	[tilespmem:s20+$0x0] =	vst v10  }
0xf2: {  	vm2 =	veq.s32 v11, $0x0;
	s24 =	simm.s32 $0x20;
	s31 =	sor.u32 s15, s16;
	s18 =	sor.u32 s15, s10;
	v12 =	vsel vm15, v1, v5;
	[tilespmem:s26+$0x0] =	vst v8  }
0xf3: {  	v15 =	vsel vm1, v3, v7;
	v11 =	vsel vm2, v0, v4;
	s5 =	sor.u32 s15, s4;
	s24 =	sand.u32 $0x60, s24;
	s17 =	sor.u32 s2, s4;
	v10 =	vsel vm1, v0, v4;
	[tilespmem:s18+$0x0] =	vst v12  }
0xf4: {  	s2 =	sor.u32 s24, s10;
	s10 =	sor.u32 s24, s4;
	s4 =	sor.u32 s15, s6;
	v9 =	vsel vm15, v0, v4;
	v13 =	vsel vm15, v2, v6;
	v14 =	vsel vm15, v3, v7;
	[tilespmem:s19+$0x0] =	vst v10  }
0xf5: {  	s26 =	sor.u32 s24, s16;
	v8 =	vsel vm2, v3, v7;
	s24 =	sor.u32 s24, s6;
	s6 =	simm.s32 $0x1060;
	v12 =	vsel vm2, v1, v5;
	v10 =	vsel vm2, v2, v6;
	[tilespmem:s17+$0x0] =	vst v15  }
.LBB2_11:
0xf6: {  	v15 =	vld [tilespmem:s6+$0x10];
	[tilespmem:s4+$0x0] =	vst v9  }
0xf7: {  	v9 =	vld [tilespmem:s6+$0xFFFFFFE0];
	[tilespmem:s31+$0x0] =	vst v13  }
0xf8: {  	s9 =	sadd.s32 $0x4, s9;
	s21 =	sadd.s32 $0x400, s21;
	s22 =	sadd.s32 $0x40, s22;
	v13 =	vld [tilespmem:s6+$0xFFFFFFF0];
	[tilespmem:s5+$0x0] =	vst v14  }
0xf9: {  	s4 =	sand.u32 $0x3800, s21;
	p0 =	slt.u32 s9, $0xFC;
	s5 =	sshll.u32 s9, $0x3;
	v14 =	vld [tilespmem:s6+$0x0];
	[tilespmem:s24+$0x0] =	vst v11  }
0xfa: {  	s4 =	sadd.s32 $0x7000, s4;
	s15 =	sand.u32 $0x600, s5;
	s5 =	sor.u32 $0x180, s5;
	[tilespmem:s2+$0x0] =	vst v12  }
0xfb: {  	s2 =	sadd.s32 $0xFFFFFFD0, s22;
	s24 =	sor.u32 s15, s4;
	s15 =	sand.u32 $0x70, s22;
	vm2 =	veq.s32 v15, $0x0;
	[tilespmem:s26+$0x0] =	vst v10  }
0xfc: {  	s5 =	sand.u32 $0xFFFFFF80, s5;
	s16 =	sor.u32 $0x80, s24;
	s17 =	sor.u32 s15, s24;
	vm3 =	veq.s32 v9, $0x0;
	v9 =	vsel vm2, v0, v4;
	[tilespmem:s10+$0x0] =	vst v8  }
0xfd: {  	s4 =	sadd.s32 s5, s4;
	s10 =	sor.u32 $0x100, s24;
	v8 =	vsel vm2, v1, v5;
	v15 =	vsel vm3, v0, v4;
	vm1 =	veq.s32 v13, $0x0;
	[tilespmem:s17+$0x0] =	vst v9;
	s17 =	sor.u32 s15, s16  }
0xfe: {  	s5 =	sadd.s32 $0xFFFFFFE0, s22;
	s20 =	sand.u32 $0x40, s2;
	v10 =	vsel vm3, v1, v5;
	vm0 =	veq.s32 v14, $0x0;
	[tilespmem:s17+$0x0] =	vst v8;
	v8 =	vsel vm2, v2, v6;
	s17 =	sor.u32 s15, s10  }
0xff: {  	s2 =	sadd.s32 $0xFFFFFFF0, s22;
	s18 =	sand.u32 $0x50, s5;
	v16 =	vsel vm3, v2, v6;
	v17 =	vsel vm3, v3, v7;
	s15 =	sor.u32 s15, s4;
	[tilespmem:s17+$0x0] =	vst v8;
	v8 =	vsel vm2, v3, v7  }
0x100: {  	s19 =	sand.u32 $0x60, s2;
	s2 =	sor.u32 s20, s10;
	v9 =	vsel vm1, v0, v4;
	v18 =	vsel vm1, v1, v5;
	v13 =	vsel vm1, v2, v6;
	s17 =	sor.u32 s20, s16;
	[tilespmem:s15+$0x0] =	vst v8  }
.Ltmp4:
0x101: {  	v14 =	vsel vm1, v3, v7;
	v11 =	vsel vm0, v0, v4;
	v12 =	vsel vm0, v1, v5;
	s15 =	sor.u32 s20, s4;
	[tilespmem:s17+$0x0] =	vst v10;
	s17 =	sor.u32 s18, s16;
	(pc) =	sbr.rel @p0 .LBB2_11-.Ltmp4, $4  }
0x102: {  	s31 =	sor.u32 s18, s10;
	s5 =	sor.u32 s18, s4;
	v8 =	vsel vm0, v3, v7;
	v10 =	vsel vm0, v2, v6;
	[tilespmem:s2+$0x0] =	vst v16;
	s2 =	sor.u32 s19, s16  }
0x103: {  	s26 =	sor.u32 s19, s10;
	s10 =	sor.u32 s19, s4;
	s16 =	sor.u32 s20, s24;
	[tilespmem:s17+$0x0] =	vst v18  }
0x104: {  	s4 =	sor.u32 s18, s24;
	s24 =	sor.u32 s19, s24;
	[tilespmem:s16+$0x0] =	vst v15  }
0x105: {  	s6 =	sadd.s32 $0x40, s6;
	[tilespmem:s15+$0x0] =	vst v17  }
0x106: {  	[tilespmem:s4+$0x0] =	vst v9  }
0x107: {  	[tilespmem:s24+$0x0] =	vst v11  }
0x108: {  	[tilespmem:s31+$0x0] =	vst v13  }
0x109: {  	[tilespmem:s2+$0x0] =	vst v12  }
0x10a: {  	[tilespmem:s5+$0x0] =	vst v14  }
0x10b: {  	s2 =	rddreg [dreg:$0x10]  }
0x10c: {  	s2 =	sadd.s32 s2, s14  }
0x10d: {  	[tilespmem:s26+$0x0] =	vst v10;
	s2 =	sshrl.u32 s2, $0x3  }
0x10e: {  	s18 =	simm.s32 $0x7000;
	[tilespmem:s10+$0x0] =	vst v8;
	s2 =	sadd.s32 s3, s2  }
0x10f: {  	[hbm4b:s2+s29] =	stream.strided.scatter [tilespmem:s18], [sflag:$0x5], $0x4000, s30, s29, $0x38;
	[tilespmem:$0xF080] =	vst v63  }
0x110: {  	p0 =	seq.s32 s12, $0x6;
	s2 =	rddreg [dreg:$0x11]  }
0x111: {  	s2 =	sadd.s32 @!p0 s2, s13  }
0x112: {  	s2 =	sshrl.u32 @!p0 s2, $0x3  }
0x113: {  	s4 =	simm.s32 @!p0 $0x0;
	s5 =	simm.s32 @!p0 $0x1000;
	s2 =	sadd.s32 @!p0 s1, s2  }
0x114: {  	[tilespmem:s5], [sflag:$0x2] =	stream.linear.gather @!p0 [hbm4b:s2+s4], $0x1000, $0x38;
	[tilespmem:$0xF080] =	vst v63  }
0x115: {  	_ =	swait.ge [sflag:s23], $0x1000  }
0x116: {  	[sflag:s23] =	ssyncset.done $0x0  }
0x117: {  	[sflag:s23] =	ssyncadd.s32 $0xFFFFF000  }
0x118: {  	_ =	swait.ge [sflag:s8], $0x4000  }
0x119: {  	[sflag:s8] =	ssyncset.done $0x0  }
0x11a: {  	s19 =	simm.s32 $0x2020;
	[sflag:s8] =	ssyncadd.s32 $0xFFFFC000  }
0x11b: {  	v8 =	vld [tilespmem:s19+$0x10];
	_ =	sdelay $0x1  }
0x11c: {  	s21 =	simm.s32 $0x0  }
0x11d: {  	s24 =	simm.s32 $0x0;
	s20 =	sand.u32 $0x3800, s21  }
0x11e: {  	s22 =	simm.s32 $0x30;
	s6 =	sand.u32 $0x600, s24;
	s4 =	sadd.s32 $0xB000, s20;
	v9 =	vld [tilespmem:s19+$0xFFFFFFE0]  }
0x11f: {  	s9 =	sand.u32 $0x70, s22;
	s6 =	sor.u32 s6, s4;
	vm0 =	veq.s32 v8, $0x0  }
0x120: {  	s5 =	sor.u32 $0x180, s24;
	s10 =	sor.u32 $0x80, s6;
	s15 =	sor.u32 s9, s6;
	v8 =	vld [tilespmem:s19+$0xFFFFFFF0];
	v10 =	vsel vm0, v0, v4  }
0x121: {  	s5 =	sand.u32 $0xFFFFFF80, s5;
	s16 =	sor.u32 $0x100, s6;
	s26 =	sor.u32 s9, s10;
	v11 =	vld [tilespmem:s19+$0x0];
	[tilespmem:s15+$0x0] =	vst v10;
	v10 =	vsel vm0, v1, v5  }
0x122: {  	s17 =	simm.s32 $0x0;
	s4 =	sadd.s32 s5, s4;
	s18 =	sor.u32 s9, s16;
	[tilespmem:s26+$0x0] =	vst v10;
	v10 =	vsel vm0, v2, v6  }
0x123: {  	s2 =	sand.u32 $0x40, s17;
	vm1 =	veq.s32 v9, $0x0;
	s19 =	sor.u32 s9, s4;
	v9 =	vsel vm0, v3, v7;
	[tilespmem:s18+$0x0] =	vst v10  }
0x124: {  	s20 =	simm.s32 $0x10;
	s24 =	simm.s32 $0x20;
	s17 =	sor.u32 s2, s10;
	v10 =	vsel vm1, v1, v5;
	[tilespmem:s19+$0x0] =	vst v9  }
0x125: {  	s9 =	simm.s32 $0x0;
	s15 =	sand.u32 $0x50, s20;
	s26 =	sor.u32 s2, s16;
	vm15 =	veq.s32 v8, $0x0;
	v8 =	vsel vm1, v2, v6;
	[tilespmem:s17+$0x0] =	vst v10  }
0x126: {  	vm2 =	veq.s32 v11, $0x0;
	s20 =	sor.u32 s15, s10;
	s31 =	sor.u32 s15, s16;
	s5 =	sor.u32 s15, s4;
	v12 =	vsel vm15, v1, v5;
	[tilespmem:s26+$0x0] =	vst v8  }
0x127: {  	v15 =	vsel vm1, v3, v7;
	v11 =	vsel vm2, v0, v4;
	s18 =	sand.u32 $0x60, s24;
	s24 =	sor.u32 s2, s6;
	v10 =	vsel vm1, v0, v4;
	s19 =	sor.u32 s2, s4;
	[tilespmem:s20+$0x0] =	vst v12  }
0x128: {  	s2 =	sor.u32 s18, s10;
	s10 =	sor.u32 s18, s4;
	s4 =	sor.u32 s15, s6;
	v9 =	vsel vm15, v0, v4;
	v13 =	vsel vm15, v2, v6;
	v14 =	vsel vm15, v3, v7;
	[tilespmem:s24+$0x0] =	vst v10  }
0x129: {  	s26 =	sor.u32 s18, s16;
	v8 =	vsel vm2, v3, v7;
	v12 =	vsel vm2, v1, v5;
	v10 =	vsel vm2, v2, v6;
	s24 =	sor.u32 s18, s6;
	s6 =	simm.s32 $0x2060;
	[tilespmem:s19+$0x0] =	vst v15  }
.LBB2_13:
0x12a: {  	v15 =	vld [tilespmem:s6+$0x10];
	[tilespmem:s4+$0x0] =	vst v9  }
0x12b: {  	v9 =	vld [tilespmem:s6+$0xFFFFFFE0];
	[tilespmem:s31+$0x0] =	vst v13  }
0x12c: {  	s9 =	sadd.s32 $0x4, s9;
	s21 =	sadd.s32 $0x400, s21;
	s22 =	sadd.s32 $0x40, s22;
	v13 =	vld [tilespmem:s6+$0xFFFFFFF0];
	[tilespmem:s5+$0x0] =	vst v14  }
0x12d: {  	s4 =	sand.u32 $0x3800, s21;
	p1 =	slt.u32 s9, $0xFC;
	s5 =	sshll.u32 s9, $0x3;
	v14 =	vld [tilespmem:s6+$0x0];
	[tilespmem:s24+$0x0] =	vst v11  }
0x12e: {  	s4 =	sadd.s32 $0xB000, s4;
	s15 =	sand.u32 $0x600, s5;
	s5 =	sor.u32 $0x180, s5;
	[tilespmem:s2+$0x0] =	vst v12  }
0x12f: {  	s2 =	sadd.s32 $0xFFFFFFD0, s22;
	s24 =	sor.u32 s15, s4;
	s15 =	sand.u32 $0x70, s22;
	vm2 =	veq.s32 v15, $0x0;
	[tilespmem:s26+$0x0] =	vst v10  }
0x130: {  	s5 =	sand.u32 $0xFFFFFF80, s5;
	s16 =	sor.u32 $0x80, s24;
	s17 =	sor.u32 s15, s24;
	vm3 =	veq.s32 v9, $0x0;
	v9 =	vsel vm2, v0, v4;
	[tilespmem:s10+$0x0] =	vst v8  }
0x131: {  	s4 =	sadd.s32 s5, s4;
	s10 =	sor.u32 $0x100, s24;
	v8 =	vsel vm2, v1, v5;
	v15 =	vsel vm3, v0, v4;
	vm1 =	veq.s32 v13, $0x0;
	[tilespmem:s17+$0x0] =	vst v9;
	s17 =	sor.u32 s15, s16  }
0x132: {  	s5 =	sadd.s32 $0xFFFFFFE0, s22;
	s18 =	sand.u32 $0x40, s2;
	v10 =	vsel vm3, v1, v5;
	vm0 =	veq.s32 v14, $0x0;
	[tilespmem:s17+$0x0] =	vst v8;
	v8 =	vsel vm2, v2, v6;
	s17 =	sor.u32 s15, s10  }
0x133: {  	s2 =	sadd.s32 $0xFFFFFFF0, s22;
	s19 =	sand.u32 $0x50, s5;
	v16 =	vsel vm3, v2, v6;
	v17 =	vsel vm3, v3, v7;
	s15 =	sor.u32 s15, s4;
	[tilespmem:s17+$0x0] =	vst v8;
	v8 =	vsel vm2, v3, v7  }
0x134: {  	s20 =	sand.u32 $0x60, s2;
	s2 =	sor.u32 s18, s10;
	v9 =	vsel vm1, v0, v4;
	v18 =	vsel vm1, v1, v5;
	v13 =	vsel vm1, v2, v6;
	s17 =	sor.u32 s18, s16;
	[tilespmem:s15+$0x0] =	vst v8  }
.Ltmp5:
0x135: {  	v14 =	vsel vm1, v3, v7;
	v11 =	vsel vm0, v0, v4;
	v12 =	vsel vm0, v1, v5;
	s15 =	sor.u32 s18, s4;
	[tilespmem:s17+$0x0] =	vst v10;
	s17 =	sor.u32 s19, s16;
	(pc) =	sbr.rel @p1 .LBB2_13-.Ltmp5, $4  }
0x136: {  	s31 =	sor.u32 s19, s10;
	s5 =	sor.u32 s19, s4;
	v8 =	vsel vm0, v3, v7;
	v10 =	vsel vm0, v2, v6;
	[tilespmem:s2+$0x0] =	vst v16;
	s2 =	sor.u32 s20, s16  }
0x137: {  	s26 =	sor.u32 s20, s10;
	s10 =	sor.u32 s20, s4;
	s16 =	sor.u32 s18, s24;
	[tilespmem:s17+$0x0] =	vst v18  }
0x138: {  	s4 =	sor.u32 s19, s24;
	s24 =	sor.u32 s20, s24;
	[tilespmem:s16+$0x0] =	vst v15  }
0x139: {  	s6 =	sadd.s32 $0x40, s6;
	[tilespmem:s15+$0x0] =	vst v17  }
0x13a: {  	[tilespmem:s4+$0x0] =	vst v9  }
0x13b: {  	[tilespmem:s24+$0x0] =	vst v11  }
0x13c: {  	[tilespmem:s31+$0x0] =	vst v13  }
0x13d: {  	[tilespmem:s2+$0x0] =	vst v12  }
0x13e: {  	[tilespmem:s5+$0x0] =	vst v14  }
.Ltmp6:
0x13f: {  	s2 =	rddreg [dreg:$0x12];
	(pc) =	sbr.rel @p0 .LBB2_16-.Ltmp6, $4  }
0x140: {  	s2 =	sadd.s32 s2, s14  }
0x141: {  	[tilespmem:s26+$0x0] =	vst v10;
	s2 =	sshrl.u32 s2, $0x3  }
0x142: {  	s31 =	simm.s32 $0xB000;
	[tilespmem:s10+$0x0] =	vst v8;
	s2 =	sadd.s32 s3, s2  }
0x143: {  	[hbm4b:s2+s29] =	stream.strided.scatter [tilespmem:s31], [sflag:$0x6], $0x4000, s30, s29, $0x38;
	[tilespmem:$0xF080] =	vst v63  }
.Ltmp7:
0x144: {  	s2 =	rddreg [dreg:$0x13];
	(pc) =	sbr.rel .LBB2_8-.Ltmp7, $4  }
0x145: {  	s2 =	sadd.s32 s2, s13  }
0x146: {  	s4 =	simm.s32 $0x0;
	s2 =	sshrl.u32 s2, $0x3  }
0x147: {  	s5 =	simm.s32 $0x2000;
	s12 =	sadd.s32 $0x1, s12;
	s2 =	sadd.s32 s1, s2  }
0x148: {  	[tilespmem:s5], [sflag:$0x3] =	stream.linear.gather [hbm4b:s2+s4], $0x1000, $0x38;
	[tilespmem:$0xF080] =	vst v63  }
.LBB2_16:
0x149: {  	_ =	swait.ge [sflag:s28], $0x1000  }
0x14a: {  	[sflag:s28] =	ssyncset.done $0x0  }
0x14b: {  	[sflag:s28] =	ssyncadd.s32 $0xFFFFF000  }
0x14c: {  	_ =	swait.ge [sflag:s25], $0x4000  }
0x14d: {  	[sflag:s25] =	ssyncset.done $0x0  }
0x14e: {  	s2 =	simm.s32 $0x20;
	[sflag:s25] =	ssyncadd.s32 $0xFFFFC000  }
0x14f: {  	v8 =	vld [tilespmem:s2+$0x10];
	_ =	sdelay $0x1  }
0x150: {  	s11 =	simm.s32 $0x0  }
0x151: {  	s5 =	simm.s32 $0x0;
	s4 =	sand.u32 $0x3800, s11  }
0x152: {  	s12 =	simm.s32 $0x30;
	s6 =	sand.u32 $0x600, s5;
	s4 =	sadd.s32 $0x3000, s4;
	v9 =	vld [tilespmem:s2+$0xFFFFFFE0]  }
0x153: {  	s9 =	sand.u32 $0x70, s12;
	s6 =	sor.u32 s6, s4;
	vm0 =	veq.s32 v8, $0x0  }
0x154: {  	s5 =	sor.u32 $0x180, s5;
	s10 =	sor.u32 $0x80, s6;
	s13 =	sor.u32 s9, s6;
	v8 =	vld [tilespmem:s2+$0xFFFFFFF0];
	v10 =	vsel vm0, v0, v4  }
0x155: {  	s5 =	sand.u32 $0xFFFFFF80, s5;
	s14 =	sor.u32 $0x100, s6;
	s18 =	sor.u32 s9, s10;
	v11 =	vld [tilespmem:s2+$0x0];
	[tilespmem:s13+$0x0] =	vst v10;
	v10 =	vsel vm0, v1, v5  }
0x156: {  	s19 =	simm.s32 $0x0;
	s4 =	sadd.s32 s5, s4;
	s20 =	sor.u32 s9, s14;
	[tilespmem:s18+$0x0] =	vst v10;
	v10 =	vsel vm0, v2, v6  }
0x157: {  	s21 =	sor.u32 s9, s4;
	vm1 =	veq.s32 v9, $0x0;
	s2 =	sand.u32 $0x40, s19;
	v9 =	vsel vm0, v3, v7;
	[tilespmem:s20+$0x0] =	vst v10  }
0x158: {  	s22 =	simm.s32 $0x10;
	s24 =	simm.s32 $0x20;
	s15 =	sor.u32 s2, s10;
	v10 =	vsel vm1, v1, v5;
	[tilespmem:s21+$0x0] =	vst v9  }
0x159: {  	s16 =	sand.u32 $0x60, s24;
	s26 =	sor.u32 s2, s14;
	s13 =	sand.u32 $0x50, s22;
	vm15 =	veq.s32 v8, $0x0;
	v8 =	vsel vm1, v2, v6;
	[tilespmem:s15+$0x0] =	vst v10  }
0x15a: {  	s9 =	simm.s32 $0x0;
	vm2 =	veq.s32 v11, $0x0;
	s17 =	sor.u32 s2, s4;
	s18 =	sor.u32 s13, s10;
	v10 =	vsel vm15, v1, v5;
	[tilespmem:s26+$0x0] =	vst v8  }
0x15b: {  	v12 =	vsel vm1, v0, v4;
	v15 =	vsel vm1, v3, v7;
	s31 =	sor.u32 s2, s6;
	s2 =	sor.u32 s16, s10;
	v11 =	vsel vm2, v2, v6;
	s5 =	sor.u32 s13, s4;
	[tilespmem:s18+$0x0] =	vst v10  }
0x15c: {  	s10 =	sor.u32 s16, s4;
	s4 =	sor.u32 s13, s6;
	s21 =	sor.u32 s13, s14;
	v9 =	vsel vm15, v0, v4;
	v13 =	vsel vm15, v2, v6;
	v14 =	vsel vm15, v3, v7;
	[tilespmem:s31+$0x0] =	vst v12  }
0x15d: {  	s14 =	sor.u32 s16, s14;
	s13 =	sor.u32 s16, s6;
	s6 =	simm.s32 $0x60;
	v8 =	vsel vm2, v3, v7;
	v10 =	vsel vm2, v0, v4;
	v12 =	vsel vm2, v1, v5;
	[tilespmem:s17+$0x0] =	vst v15  }
.LBB2_17:
0x15e: {  	v15 =	vld [tilespmem:s6+$0x10];
	[tilespmem:s4+$0x0] =	vst v9  }
0x15f: {  	v9 =	vld [tilespmem:s6+$0xFFFFFFE0];
	[tilespmem:s21+$0x0] =	vst v13  }
0x160: {  	s9 =	sadd.s32 $0x4, s9;
	s11 =	sadd.s32 $0x400, s11;
	s12 =	sadd.s32 $0x40, s12;
	v13 =	vld [tilespmem:s6+$0xFFFFFFF0];
	[tilespmem:s5+$0x0] =	vst v14  }
0x161: {  	s4 =	sand.u32 $0x3800, s11;
	p0 =	slt.u32 s9, $0xFC;
	s5 =	sshll.u32 s9, $0x3;
	v14 =	vld [tilespmem:s6+$0x0];
	[tilespmem:s13+$0x0] =	vst v10  }
0x162: {  	s15 =	sand.u32 $0x70, s12;
	s4 =	sadd.s32 $0x3000, s4;
	s13 =	sand.u32 $0x600, s5;
	[tilespmem:s2+$0x0] =	vst v12  }
0x163: {  	s5 =	sor.u32 $0x180, s5;
	s2 =	sadd.s32 $0xFFFFFFD0, s12;
	s13 =	sor.u32 s13, s4;
	vm2 =	veq.s32 v15, $0x0;
	[tilespmem:s14+$0x0] =	vst v11  }
0x164: {  	s5 =	sand.u32 $0xFFFFFF80, s5;
	s14 =	sor.u32 $0x80, s13;
	s16 =	sor.u32 s15, s13;
	vm3 =	veq.s32 v9, $0x0;
	v9 =	vsel vm2, v0, v4;
	[tilespmem:s10+$0x0] =	vst v8  }
0x165: {  	s4 =	sadd.s32 s5, s4;
	s10 =	sor.u32 $0x100, s13;
	v8 =	vsel vm2, v1, v5;
	v15 =	vsel vm3, v0, v4;
	vm1 =	veq.s32 v13, $0x0;
	[tilespmem:s16+$0x0] =	vst v9;
	s16 =	sor.u32 s15, s14  }
0x166: {  	s5 =	sadd.s32 $0xFFFFFFE0, s12;
	s17 =	sand.u32 $0x40, s2;
	v10 =	vsel vm3, v1, v5;
	vm0 =	veq.s32 v14, $0x0;
	[tilespmem:s16+$0x0] =	vst v8;
	v8 =	vsel vm2, v2, v6;
	s16 =	sor.u32 s15, s10  }
0x167: {  	s2 =	sadd.s32 $0xFFFFFFF0, s12;
	s18 =	sand.u32 $0x50, s5;
	v11 =	vsel vm3, v2, v6;
	v16 =	vsel vm3, v3, v7;
	s15 =	sor.u32 s15, s4;
	[tilespmem:s16+$0x0] =	vst v8;
	v8 =	vsel vm2, v3, v7  }
0x168: {  	s19 =	sand.u32 $0x60, s2;
	s2 =	sor.u32 s17, s10;
	v9 =	vsel vm1, v0, v4;
	v17 =	vsel vm1, v1, v5;
	v13 =	vsel vm1, v2, v6;
	s16 =	sor.u32 s17, s14;
	[tilespmem:s15+$0x0] =	vst v8  }
.Ltmp8:
0x169: {  	v14 =	vsel vm1, v3, v7;
	v12 =	vsel vm0, v1, v5;
	s15 =	sor.u32 s17, s4;
	[tilespmem:s16+$0x0] =	vst v10;
	s16 =	sor.u32 s18, s14;
	v10 =	vsel vm0, v0, v4;
	(pc) =	sbr.rel @p0 .LBB2_17-.Ltmp8, $4  }
0x16a: {  	s21 =	sor.u32 s18, s10;
	s5 =	sor.u32 s18, s4;
	v8 =	vsel vm0, v3, v7;
	[tilespmem:s2+$0x0] =	vst v11;
	s2 =	sor.u32 s19, s14;
	v11 =	vsel vm0, v2, v6  }
0x16b: {  	s17 =	sor.u32 s17, s13;
	s14 =	sor.u32 s19, s10;
	s10 =	sor.u32 s19, s4;
	[tilespmem:s16+$0x0] =	vst v17  }
0x16c: {  	s4 =	sor.u32 s18, s13;
	s13 =	sor.u32 s19, s13;
	[tilespmem:s17+$0x0] =	vst v15  }
0x16d: {  	s6 =	sadd.s32 $0x40, s6;
	[tilespmem:s15+$0x0] =	vst v16  }
0x16e: {  	[tilespmem:s4+$0x0] =	vst v9  }
0x16f: {  	[tilespmem:s13+$0x0] =	vst v10  }
0x170: {  	[tilespmem:s21+$0x0] =	vst v13  }
0x171: {  	[tilespmem:s2+$0x0] =	vst v12  }
0x172: {  	[tilespmem:s5+$0x0] =	vst v14  }
0x173: {  	[tilespmem:s14+$0x0] =	vst v11  }
0x174: {  	[tilespmem:s10+$0x0] =	vst v8  }
0x175: {  	s24 =	simm.s32 $0x3000;
	s2 =	rddreg [dreg:$0x14]  }
0x176: {  	[hbm4b:s2+s29] =	stream.strided.scatter [tilespmem:s24], [sflag:$0x4], $0x4000, s30, s29, $0x38;
	[tilespmem:$0xF080] =	vst v63  }
0x177: {  	_ =	swait.ge [sflag:s7], $0x4000  }
0x178: {  	[sflag:s7] =	ssyncset.done $0x0  }
0x179: {  	[sflag:s7] =	ssyncadd.s32 $0xFFFFC000  }
0x17a: {  	_ =	swait.ge [sflag:s8], $0x4000  }
0x17b: {  	[sflag:s8] =	ssyncset.done $0x0  }
0x17c: {  	[sflag:s8] =	ssyncadd.s32 $0xFFFFC000  }
0x17d: {  	_ =	swait.ge [sflag:s25], $0x4000  }
0x17e: {  	s26 =	rddreg [dreg:$0x16]  }
0x17f: {  	s31 =	rddreg [dreg:$0x15];
	s4 =	sadd.s32 $0x1, s26  }
0x180: {  	p0 =	sne.s32 s4, s31  }
.Ltmp9:
0x181: {  	_ = 	snop;
	(pc) =	sbr.rel @p0 .LBB2_1-.Ltmp9, $3  }
0x182: {  	_ =	sdelay $0x1  }
0x183: {  	[sflag:s25] =	ssyncset.done $0x0  }
0x184: {  	s15 =	simm.s32 $0x1000;
	[sflag:s25] =	ssyncadd.s32 $0xFFFFC000  }
0x185: {  	_ =	sfence.sel $0x180000  }
0x186: {  	[bflag:$0x0] =	sbarrier.arrive $0xFFFF  }
0x187: {  	_ =	strace $0x90000047  }
0x188: {  	s0 =	stileid.u32;
	[bflag:$0x2] =	sbarrier.arrive $0xFFFF  }
0x189: {  	p0 =	sne.s32 s0, $0x0;
	s0 =	rddreg [dreg:$0x3]  }
0x18a: {  	s0 =	sadd.s32 @!p0 $0x100000, s0  }
0x18b: {  	[sflag:s0] =	ssyncadd.tile.s32 @!p0 $0x1;
	_ =	shalt  }
.Lfunc_end2:
_tile_overlayer_lowered:
.L_overlay_start_2:
0x18c: {  	(tag) =	ssettag $0x2  }
0x18d: {  	s0 =	rddreg [dreg:$0x0];
	s2 =	stileid.u32  }
0x18e: {  	s1 =	rddreg [dreg:$0x1];
	p0 =	sne.s32 s2, $0x0  }
0x18f: {  	s3 =	rddreg [dreg:$0x2];
	[bflag:$0x3] =	sbarrier.arrive $0xFFFF;
	s2 =	simm.s32 @!p0 $0x1C07  }
0x190: {  	[timem:s3], [sflag:s2] =	dma.local @!p0 [hbm:s0], s1  }
0x191: {  	s0 =	simm.s32 @!p0 $0x7  }
0x192: {  	_ =	swait.ge @!p0 [sflag:s0], s1  }
0x193: {  	s1 =	ssub.s32 @!p0 $0x0, s1;
	[sflag:s0] =	ssyncset.done @!p0 $0x0  }
0x194: {  	[sflag:s0] =	ssyncadd.s32 @!p0 s1  }
0x195: {  	[bflag:$0x3] =	sbarrier.arrive $0xFFFF  }
0x196: {  	_ =	shalt  }

</sc_bundles>
